<compile_context>
chip_gen: v7x
topology: tpu7x:2x2x1
jax: 0.10.2.dev20260603
libtpu: 0.0.44.dev20260713+nightly
codegen_flags: <defaults>
</compile_context>

<pallas_src>
import functools

import jax
import jax.numpy as jnp
from jax import lax
from jax.experimental import pallas as pl
from jax.experimental.pallas import tpu as pltpu
from jax.experimental.pallas import tpu_sc as plsc

N = 10000
E = 320000
D = 128
H = 64
B = 256
PH = 128

NC = 2
NS = 16
NW = NC * NS
EPW = E // NW
CH = 80
NCHUNK = 128
EPWP = NCHUNK * CH
EP = NW * EPWP
NP = 10240
RPS = NP // NS


def _sc_agg_body(with_deg, *refs):
    if with_deg:
        (y_hbm, src_hbm, dst_hbm, z64_hbm, z16_hbm, ones_hbm,
         out_hbm, deg_hbm, src_t, dst_t, b0, b1, b2, b3, ones_v, acc_sh,
         deg_sh, gs0, gs1, gs2, gs3, ss0, ss1, ss2, ss3,
         ds0, ds1, ds2, ds3) = refs
        dsem = [ds0, ds1, ds2, ds3]
    else:
        (y_hbm, src_hbm, dst_hbm, z64_hbm,
         out_hbm, src_t, dst_t, b0, b1, b2, b3, acc_sh,
         gs0, gs1, gs2, gs3, ss0, ss1, ss2, ss3) = refs
    bufs = [b0, b1, b2, b3]
    gsem = [gs0, gs1, gs2, gs3]
    ssem = [ss0, ss1, ss2, ss3]
    c = lax.axis_index("c")
    s = lax.axis_index("s")
    wid = s * NC + c
    row0 = s * RPS

    pltpu.sync_copy(src_hbm.at[wid], src_t)
    pltpu.sync_copy(dst_hbm.at[wid], dst_t)
    pltpu.sync_copy(z64_hbm.at[pl.ds(row0, RPS), :],
                    acc_sh.at[pl.ds(row0, RPS), :])
    if with_deg:
        pltpu.sync_copy(z16_hbm.at[pl.ds(row0, RPS), :],
                        deg_sh.at[pl.ds(row0, RPS), :])
        pltpu.sync_copy(ones_hbm, ones_v)
    plsc.subcore_barrier()

    def fire(g, k):
        pltpu.async_copy(y_hbm.at[src_t.at[g]], bufs[k], gsem[k])

    def wait_gather(g, k):
        pltpu.make_async_copy(y_hbm.at[src_t.at[g]], bufs[k],
                              gsem[k]).wait()

    def scat(g, k):
        pltpu.async_copy(bufs[k], acc_sh.at[dst_t.at[g]], ssem[k],
                         add=True)
        if with_deg:
            pltpu.async_copy(ones_v, deg_sh.at[dst_t.at[g]], dsem[k],
                             add=True)

    def wait_scat(g, k):
        pltpu.make_async_copy(bufs[k], acc_sh.at[dst_t.at[g]],
                              ssem[k]).wait()
        if with_deg:
            pltpu.make_async_copy(ones_v, deg_sh.at[dst_t.at[g]],
                                  dsem[k]).wait()

    for k in range(3):
        fire(k, k)

    def body(i, carry):
        for k in range(4):
            g = i * 4 + k
            nk = (k + 3) % 4

            @pl.when(jnp.logical_and(g >= 1, g + 3 < NCHUNK))
            def _():
                wait_scat(g - 1, nk)

            @pl.when(g + 3 < NCHUNK)
            def _():
                fire(g + 3, nk)

            wait_gather(g, k)
            scat(g, k)
        return carry

    lax.fori_loop(0, NCHUNK // 4, body, 0)
    for g in range(NCHUNK - 4, NCHUNK):
        wait_scat(g, g % 4)
    plsc.subcore_barrier()

    pltpu.sync_copy(acc_sh.at[pl.ds(row0, RPS), :],
                    out_hbm.at[c, pl.ds(row0, RPS), :])
    if with_deg:
        pltpu.sync_copy(deg_sh.at[pl.ds(row0, RPS), :],
                        deg_hbm.at[c, pl.ds(row0, RPS), :])


def _sc_aggregate(y, src, dst, with_deg):
    mesh = plsc.VectorSubcoreMesh(core_axis_name="c", subcore_axis_name="s",
                                  num_cores=NC)
    yp = jnp.pad(y, ((0, NP - N), (0, 0)))
    srcr = jnp.pad(src, (0, EP - E)).reshape(NW, NCHUNK, CH)
    dstr = jnp.pad(dst, (0, EP - E),
                   constant_values=N).reshape(NW, NCHUNK, CH)
    z64 = jnp.zeros((NP, H), jnp.float32)
    bufs = [pltpu.VMEM((CH, H), jnp.float32)] * 4
    idxs = [pltpu.VMEM((NCHUNK, CH), jnp.int32)] * 2
    sems8 = [pltpu.SemaphoreType.DMA] * 8
    if with_deg:
        out_type = (jax.ShapeDtypeStruct((NC, NP, H), jnp.float32),
                    jax.ShapeDtypeStruct((NC, NP, 16), jnp.float32))
        scratch = (idxs + bufs
                   + [pltpu.VMEM((CH, 16), jnp.float32),
                      pltpu.VMEM_SHARED((NP, H), jnp.float32),
                      pltpu.VMEM_SHARED((NP, 16), jnp.float32)]
                   + sems8 + [pltpu.SemaphoreType.DMA] * 4)
        z16 = jnp.zeros((NP, 16), jnp.float32)
        ones = jnp.ones((CH, 16), jnp.float32)
        fn = pl.kernel(functools.partial(_sc_agg_body, True),
                       out_type=out_type, mesh=mesh, scratch_types=scratch,
                       compiler_params=pltpu.CompilerParams(
                           use_tc_tiling_on_sc=False))
        agg, degp = fn(yp, srcr, dstr, z64, z16, ones)
        return agg[:, :N, :], degp[:, :N, :]
    out_type = jax.ShapeDtypeStruct((NC, NP, H), jnp.float32)
    scratch = (idxs + bufs
               + [pltpu.VMEM_SHARED((NP, H), jnp.float32)]
               + sems8)
    fn = pl.kernel(functools.partial(_sc_agg_body, False),
                   out_type=out_type, mesh=mesh, scratch_types=scratch,
                   compiler_params=pltpu.CompilerParams(
                       use_tc_tiling_on_sc=False))
    return fn(yp, srcr, dstr, z64)[:, :N, :]



RB = 1000


def _k1_body(x_ref, wn_ref, ws_ref, y_ref, s_ref):
    x = x_ref[...]
    y_ref[...] = jnp.dot(x, wn_ref[...], preferred_element_type=jnp.float32)
    s_ref[...] = jnp.dot(x, ws_ref[...], preferred_element_type=jnp.float32)


def _tc_pre(x, w_neigh, w_self):
    grid = (x.shape[0] // RB,)
    bx = pl.BlockSpec((RB, x.shape[1]), lambda i: (i, 0))
    bw = pl.BlockSpec((x.shape[1], H), lambda i: (0, 0))
    bo = pl.BlockSpec((RB, H), lambda i: (i, 0))
    return pl.pallas_call(
        _k1_body,
        grid=grid,
        in_specs=[bx, bw, bw],
        out_specs=[bo, bo],
        out_shape=[jax.ShapeDtypeStruct((x.shape[0], H), jnp.float32),
                   jax.ShapeDtypeStruct((x.shape[0], H), jnp.float32)],
    )(x, w_neigh, w_self)


def _k2_body(s_ref, a0_ref, a1_ref, d0_ref, d1_ref, b_ref, wn_ref, ws_ref,
             y_ref, s2_ref):
    deg = jnp.maximum(d0_ref[:, 0:1] + d1_ref[:, 0:1], 1.0)
    h = jnp.maximum(s_ref[...] + (a0_ref[...] + a1_ref[...]) / deg
                    + b_ref[...], 0.0)
    y_ref[...] = jnp.dot(h, wn_ref[...], preferred_element_type=jnp.float32)
    s2_ref[...] = jnp.dot(h, ws_ref[...], preferred_element_type=jnp.float32)


def _tc_mid(s1, a0, a1, d0, d1, b1, w_neigh2, w_self2):
    grid = (N // RB,)
    bh = pl.BlockSpec((RB, H), lambda i: (i, 0))
    bd = pl.BlockSpec((RB, 16), lambda i: (i, 0))
    bb = pl.BlockSpec((1, H), lambda i: (0, 0))
    bw = pl.BlockSpec((H, H), lambda i: (0, 0))
    return pl.pallas_call(
        _k2_body,
        grid=grid,
        in_specs=[bh, bh, bh, bd, bd, bb, bw, bw],
        out_specs=[bh, bh],
        out_shape=[jax.ShapeDtypeStruct((N, H), jnp.float32),
                   jax.ShapeDtypeStruct((N, H), jnp.float32)],
    )(s1, a0, a1, d0, d1, b1, w_neigh2, w_self2)


def _k3a_body(s_ref, a0_ref, a1_ref, d0_ref, d1_ref, b_ref, wg_ref, bg_ref,
              h_ref, gh_ref):
    deg = jnp.maximum(d0_ref[:, 0:1] + d1_ref[:, 0:1], 1.0)
    h = jnp.maximum(s_ref[...] + (a0_ref[...] + a1_ref[...]) / deg
                    + b_ref[...], 0.0)
    gate = jax.nn.sigmoid(
        jnp.sum(h * wg_ref[...], axis=1, keepdims=True) + bg_ref[...])
    h_ref[...] = h
    gh_ref[...] = gate * h


def _tc_gate(s2, a0, a1, d0, d1, b2, wg_row, bg):
    grid = (N // RB,)
    bh = pl.BlockSpec((RB, H), lambda i: (i, 0))
    bd = pl.BlockSpec((RB, 16), lambda i: (i, 0))
    bb = pl.BlockSpec((1, H), lambda i: (0, 0))
    bg1 = pl.BlockSpec((1, 1), lambda i: (0, 0))
    return pl.pallas_call(
        _k3a_body,
        grid=grid,
        in_specs=[bh, bh, bh, bd, bd, bb, bb, bg1],
        out_specs=[bh, bh],
        out_shape=[jax.ShapeDtypeStruct((N, H), jnp.float32),
                   jax.ShapeDtypeStruct((N, H), jnp.float32)],
    )(s2, a0, a1, d0, d1, b2, wg_row, bg)


SUB = 50


def _k3b_body(h_ref, gh_ref, gid_ref, wp1_ref, bp1_ref, bna_ref, bnc_ref,
              wp2_ref, bp2_ref, out_ref):
    def outer(i, carry):
        wsum, hmax = carry
        gz = gh_ref[pl.ds(i * RB, RB), :]
        gid = gid_ref[pl.ds(i * RB, RB), :]
        segs = lax.broadcasted_iota(jnp.int32, (RB, B), 1)
        mask = (gid == segs)
        wsum = wsum + jax.lax.dot_general(
            mask.astype(jnp.float32), gz, (((0,), (0,)), ((), ())),
            preferred_element_type=jnp.float32)

        def inner(j, hm):
            base = i * RB + j * SUB
            gsub = gid_ref[pl.ds(base, SUB), :]
            hsub = h_ref[pl.ds(base, SUB), :]
            pen = jnp.where(
                gsub == lax.broadcasted_iota(jnp.int32, (SUB, B), 1),
                0.0, -jnp.inf)
            cand = jnp.max(hsub[:, None, :] + pen[:, :, None], axis=0)
            return jnp.maximum(hm, cand)

        hmax = lax.fori_loop(0, RB // SUB, inner, hmax)
        return wsum, hmax

    wsum0 = jnp.zeros((B, H), jnp.float32)
    hmax0 = jnp.full((B, H), -jnp.inf, jnp.float32)
    wsum, hmax = lax.fori_loop(0, N // RB, outer, (wsum0, hmax0))

    g = jnp.concatenate([wsum, hmax], axis=1)
    z = jnp.dot(g, wp1_ref[...], preferred_element_type=jnp.float32)
    z = jnp.maximum(z + bp1_ref[...], 0.0)
    z = z * bna_ref[...] + bnc_ref[...]
    out_ref[...] = jnp.dot(z, wp2_ref[...],
                           preferred_element_type=jnp.float32) + bp2_ref[...]


def _tc_readout(h2, gh, gid2d, wp1, bp1, bn_a, bn_c, wp2, bp2):
    full = lambda a: pl.BlockSpec(a.shape, lambda: tuple(0 for _ in a.shape))
    return pl.pallas_call(
        _k3b_body,
        in_specs=[full(h2), full(gh), full(gid2d), full(wp1), full(bp1),
                  full(bn_a), full(bn_c), full(wp2), full(bp2)],
        out_specs=pl.BlockSpec((B, 1), lambda: (0, 0)),
        out_shape=jax.ShapeDtypeStruct((B, 1), jnp.float32),
    )(h2, gh, gid2d, wp1, bp1, bn_a, bn_c, wp2, bp2)


@jax.jit
def kernel(feats, edge_index, graph_ids, W_self1, W_neigh1, b1, W_self2,
           W_neigh2, b2, w_gate, b_gate, W_p1, b_p1, bn_gamma, bn_beta,
           bn_mean, bn_var, W_p2, b_p2):
    src = edge_index[0]
    dst = edge_index[1]

    y1, s1 = _tc_pre(feats, W_neigh1, W_self1)
    agg1, degp = _sc_aggregate(y1, src, dst, with_deg=True)
    y2, s2 = _tc_mid(s1, agg1[0], agg1[1], degp[0], degp[1],
                     b1.reshape(1, H), W_neigh2, W_self2)
    agg2 = _sc_aggregate(y2, src, dst, with_deg=False)
    h2, gh = _tc_gate(s2, agg2[0], agg2[1], degp[0], degp[1],
                      b2.reshape(1, H), w_gate.reshape(1, H),
                      b_gate.reshape(1, 1))

    bn_a = (bn_gamma * lax.rsqrt(bn_var + 1e-5)).reshape(1, PH)
    bn_c = (bn_beta - bn_mean * bn_gamma * lax.rsqrt(bn_var + 1e-5)
            ).reshape(1, PH)
    out = _tc_readout(h2, gh, graph_ids.reshape(N, 1).astype(jnp.int32),
                      W_p1, b_p1.reshape(1, PH), bn_a, bn_c,
                      W_p2, b_p2.reshape(1, 1))
    return out

# --- scband reference (transcript-rebuilt; emitter-appended) ---
"""Pipeline reference for scband-graph-sagepredictor-60756607369242 (READ-ONLY COPY).

The authoritative reference and input builder live on the scoring server;
editing this copy changes nothing except your own understanding.
"""

import jax, jax.numpy as jnp
import numpy as np

N = 10000
E = 320000
D = 128
H = 64
B = 256
PH = 128
NT = 1


def setup_inputs(seed: int = 0) -> dict:
    key = jax.random.key(seed)
    ks = jax.random.split(key, 20)
    feats = jax.random.normal(ks[0], (N, D), dtype=jnp.float32)
    edge_index = jax.random.randint(ks[1], (2, E), 0, N, dtype=jnp.int32)
    graph_ids = jnp.sort(jax.random.randint(ks[2], (N,), 0, B, dtype=jnp.int32))
    s = 0.05
    params = {
        'W_self1': jax.random.normal(ks[3], (D, H), jnp.float32) * s,
        'W_neigh1': jax.random.normal(ks[4], (D, H), jnp.float32) * s,
        'b1': jnp.zeros((H,), jnp.float32),
        'W_self2': jax.random.normal(ks[5], (H, H), jnp.float32) * s,
        'W_neigh2': jax.random.normal(ks[6], (H, H), jnp.float32) * s,
        'b2': jnp.zeros((H,), jnp.float32),
        'w_gate': jax.random.normal(ks[7], (H, 1), jnp.float32) * s,
        'b_gate': jnp.zeros((1,), jnp.float32),
        'W_p1': jax.random.normal(ks[8], (2 * H, PH), jnp.float32) * s,
        'b_p1': jnp.zeros((PH,), jnp.float32),
        'bn_gamma': jnp.ones((PH,), jnp.float32),
        'bn_beta': jnp.zeros((PH,), jnp.float32),
        'bn_mean': jnp.zeros((PH,), jnp.float32),
        'bn_var': jnp.ones((PH,), jnp.float32),
        'W_p2': jax.random.normal(ks[9], (PH, NT), jnp.float32) * s,
        'b_p2': jnp.zeros((NT,), jnp.float32),
    }
    inp = {'feats': feats, 'edge_index': edge_index, 'graph_ids': graph_ids}
    inp.update(params)
    return inp


def _sage_layer(x, src, dst, W_self, W_neigh, b, n_nodes):
    # DGL SAGEConv with 'mean' aggregator: fc_self(h) + fc_neigh(mean_neigh) + bias, then relu
    msg = jnp.take(x, src, axis=0)
    summed = jax.ops.segment_sum(msg, dst, num_segments=n_nodes)
    deg = jax.ops.segment_sum(jnp.ones((src.shape[0],), x.dtype), dst, num_segments=n_nodes)
    h_neigh = summed / jnp.maximum(deg, 1.0)[:, None]
    h = x @ W_self + h_neigh @ W_neigh + b
    return jax.nn.relu(h)


def reference(feats, edge_index, graph_ids, W_self1, W_neigh1, b1, W_self2, W_neigh2, b2,
              w_gate, b_gate, W_p1, b_p1, bn_gamma, bn_beta, bn_mean, bn_var, W_p2, b_p2):
    src = edge_index[0]
    dst = edge_index[1]
    n_nodes = feats.shape[0]
    # GraphSAGE stack (2 layers, dropout=0 eval mode)
    h = _sage_layer(feats, src, dst, W_self1, W_neigh1, b1, n_nodes)
    h = _sage_layer(h, src, dst, W_self2, W_neigh2, b2, n_nodes)
    # WeightedSumAndMax readout over batched graphs
    gate = jax.nn.sigmoid(h @ w_gate + b_gate)  # [N, 1]
    wsum = jax.ops.segment_sum(gate * h, graph_ids, num_segments=B)  # [B, H]
    hmax = jax.ops.segment_max(h, graph_ids, num_segments=B)         # [B, H]
    g = jnp.concatenate([wsum, hmax], axis=1)  # [B, 2H]
    # MLPPredictor: Dropout(eval) -> Linear -> ReLU -> BatchNorm1d(eval) -> Linear
    z = g @ W_p1 + b_p1
    z = jax.nn.relu(z)
    z = bn_gamma * (z - bn_mean) / jnp.sqrt(bn_var + 1e-5) + bn_beta
    out = z @ W_p2 + b_p2  # [B, n_tasks]
    return out

if __name__ == "__main__":
    import jax
    _d = setup_inputs()
    print(jax.jit(kernel)(*tuple(_d.values())))

</pallas_src>

<mosaic_0001>
#map = affine_map<(d0, d1) -> (0, 0)>
#map1 = affine_map<(d0, d1) -> (0, 0, 0)>
module attributes {stable_mosaic.version = 14 : i64} {
  func.func @_sc_agg_body(%arg0: i32, %arg1: i32, %arg2: memref<10240x64xf32, #tpu.memory_space<hbm>>, %arg3: memref<32x128x80xi32, #tpu.memory_space<hbm>>, %arg4: memref<32x128x80xi32, #tpu.memory_space<hbm>>, %arg5: memref<10240x64xf32, #tpu.memory_space<hbm>>, %arg6: memref<10240x16xf32, #tpu.memory_space<hbm>>, %arg7: memref<80x16xf32, #tpu.memory_space<hbm>>, %arg8: memref<2x10240x64xf32, #tpu.memory_space<hbm>>, %arg9: memref<2x10240x16xf32, #tpu.memory_space<hbm>>, %arg10: memref<128x80xi32, #tpu.memory_space<vmem>>, %arg11: memref<128x80xi32, #tpu.memory_space<vmem>>, %arg12: memref<80x64xf32, #tpu.memory_space<vmem>>, %arg13: memref<80x64xf32, #tpu.memory_space<vmem>>, %arg14: memref<80x64xf32, #tpu.memory_space<vmem>>, %arg15: memref<80x64xf32, #tpu.memory_space<vmem>>, %arg16: memref<80x16xf32, #tpu.memory_space<vmem>>, %arg17: memref<10240x64xf32, #tpu.memory_space<vmem_shared>>, %arg18: memref<10240x16xf32, #tpu.memory_space<vmem_shared>>, %arg19: memref<!tpu.dma_semaphore, #tpu.memory_space<semaphore_mem>>, %arg20: memref<!tpu.dma_semaphore, #tpu.memory_space<semaphore_mem>>, %arg21: memref<!tpu.dma_semaphore, #tpu.memory_space<semaphore_mem>>, %arg22: memref<!tpu.dma_semaphore, #tpu.memory_space<semaphore_mem>>, %arg23: memref<!tpu.dma_semaphore, #tpu.memory_space<semaphore_mem>>, %arg24: memref<!tpu.dma_semaphore, #tpu.memory_space<semaphore_mem>>, %arg25: memref<!tpu.dma_semaphore, #tpu.memory_space<semaphore_mem>>, %arg26: memref<!tpu.dma_semaphore, #tpu.memory_space<semaphore_mem>>, %arg27: memref<!tpu.dma_semaphore, #tpu.memory_space<semaphore_mem>>, %arg28: memref<!tpu.dma_semaphore, #tpu.memory_space<semaphore_mem>>, %arg29: memref<!tpu.dma_semaphore, #tpu.memory_space<semaphore_mem>>, %arg30: memref<!tpu.dma_semaphore, #tpu.memory_space<semaphore_mem>>) attributes {dimension_semantics = [#tpu.dimension_semantics<core_parallel>, #tpu.dimension_semantics<subcore_parallel>], iteration_bounds = array<i64: 2, 16>, scalar_prefetch = 0 : i64, scratch_operands = 21 : i64, tpu.core_type = #tpu.core_type<sc_vector_subcore>, window_params = [{transform_indices = #map}, {transform_indices = #map1}, {transform_indices = #map1}, {transform_indices = #map}, {transform_indices = #map}, {transform_indices = #map}, {transform_indices = #map1}, {transform_indices = #map1}]} {
    %mul3A = arith.constant 2 : i32
    %mul3A_0 = arith.muli %arg1, %mul3A : i32
    %add3A = arith.addi %mul3A_0, %arg0 : i32
    %mul3A_1 = arith.constant 640 : i32
    %mul3A_2 = arith.muli %arg1, %mul3A_1 : i32
    "tpu.region"() ({
      %run_scoped3A = tpu.sem_alloc : memref<!tpu.dma_semaphore, #tpu.memory_space<semaphore_mem>>
      %dma_start3A_84 = arith.constant 0 : i32
      %dma_start3A_85 = arith.constant 0 : i32
      %dma_start3A_86 = tpu.memref_slice %arg3[%add3A, %dma_start3A_84, %dma_start3A_85] : memref<32x128x80xi32, #tpu.memory_space<hbm>> -> memref<1x128x80xi32, #tpu.memory_space<hbm>>
      %dma_start3A_87 = tpu.memref_squeeze %dma_start3A_86 : memref<1x128x80xi32, #tpu.memory_space<hbm>> -> memref<128x80xi32, #tpu.memory_space<hbm>>
      %dma_start3A_88 = arith.constant 0 : i32
      %dma_start3A_89 = arith.constant 0 : i32
      %dma_start3A_90 = tpu.memref_slice %arg3[%add3A, %dma_start3A_88, %dma_start3A_89] : memref<32x128x80xi32, #tpu.memory_space<hbm>> -> memref<1x128x80xi32, #tpu.memory_space<hbm>>
      %dma_start3A_91 = tpu.memref_squeeze %dma_start3A_90 : memref<1x128x80xi32, #tpu.memory_space<hbm>> -> memref<128x80xi32, #tpu.memory_space<hbm>>
      tpu.enqueue_dma source(%dma_start3A_91 : memref<128x80xi32, #tpu.memory_space<hbm>>) target(%arg10 : memref<128x80xi32, #tpu.memory_space<vmem>>) target_semaphore(%run_scoped3A : memref<!tpu.dma_semaphore, #tpu.memory_space<semaphore_mem>>)
      %dma_wait3A_92 = arith.constant 0 : i32
      %dma_wait3A_93 = arith.constant 0 : i32
      %dma_wait3A_94 = tpu.memref_slice %arg3[%add3A, %dma_wait3A_92, %dma_wait3A_93] : memref<32x128x80xi32, #tpu.memory_space<hbm>> -> memref<1x128x80xi32, #tpu.memory_space<hbm>>
      %dma_wait3A_95 = tpu.memref_squeeze %dma_wait3A_94 : memref<1x128x80xi32, #tpu.memory_space<hbm>> -> memref<128x80xi32, #tpu.memory_space<hbm>>
      %dma_wait3A_96 = arith.constant 0 : i32
      %dma_wait3A_97 = arith.constant 0 : i32
      %dma_wait3A_98 = tpu.memref_slice %arg3[%add3A, %dma_wait3A_96, %dma_wait3A_97] : memref<32x128x80xi32, #tpu.memory_space<hbm>> -> memref<1x128x80xi32, #tpu.memory_space<hbm>>
      %dma_wait3A_99 = tpu.memref_squeeze %dma_wait3A_98 : memref<1x128x80xi32, #tpu.memory_space<hbm>> -> memref<128x80xi32, #tpu.memory_space<hbm>>
      tpu.wait_dma2 semaphore(%run_scoped3A : memref<!tpu.dma_semaphore, #tpu.memory_space<semaphore_mem>>) src(%dma_wait3A_99 : memref<128x80xi32, #tpu.memory_space<hbm>>) dst(%arg10 : memref<128x80xi32, #tpu.memory_space<vmem>>)
      tpu.yield
    }) : () -> ()
    "tpu.region"() ({
      %run_scoped3A = tpu.sem_alloc : memref<!tpu.dma_semaphore, #tpu.memory_space<semaphore_mem>>
      %dma_start3A_84 = arith.constant 0 : i32
      %dma_start3A_85 = arith.constant 0 : i32
      %dma_start3A_86 = tpu.memref_slice %arg4[%add3A, %dma_start3A_84, %dma_start3A_85] : memref<32x128x80xi32, #tpu.memory_space<hbm>> -> memref<1x128x80xi32, #tpu.memory_space<hbm>>
      %dma_start3A_87 = tpu.memref_squeeze %dma_start3A_86 : memref<1x128x80xi32, #tpu.memory_space<hbm>> -> memref<128x80xi32, #tpu.memory_space<hbm>>
      %dma_start3A_88 = arith.constant 0 : i32
      %dma_start3A_89 = arith.constant 0 : i32
      %dma_start3A_90 = tpu.memref_slice %arg4[%add3A, %dma_start3A_88, %dma_start3A_89] : memref<32x128x80xi32, #tpu.memory_space<hbm>> -> memref<1x128x80xi32, #tpu.memory_space<hbm>>
      %dma_start3A_91 = tpu.memref_squeeze %dma_start3A_90 : memref<1x128x80xi32, #tpu.memory_space<hbm>> -> memref<128x80xi32, #tpu.memory_space<hbm>>
      tpu.enqueue_dma source(%dma_start3A_91 : memref<128x80xi32, #tpu.memory_space<hbm>>) target(%arg11 : memref<128x80xi32, #tpu.memory_space<vmem>>) target_semaphore(%run_scoped3A : memref<!tpu.dma_semaphore, #tpu.memory_space<semaphore_mem>>)
      %dma_wait3A_92 = arith.constant 0 : i32
      %dma_wait3A_93 = arith.constant 0 : i32
      %dma_wait3A_94 = tpu.memref_slice %arg4[%add3A, %dma_wait3A_92, %dma_wait3A_93] : memref<32x128x80xi32, #tpu.memory_space<hbm>> -> memref<1x128x80xi32, #tpu.memory_space<hbm>>
      %dma_wait3A_95 = tpu.memref_squeeze %dma_wait3A_94 : memref<1x128x80xi32, #tpu.memory_space<hbm>> -> memref<128x80xi32, #tpu.memory_space<hbm>>
      %dma_wait3A_96 = arith.constant 0 : i32
      %dma_wait3A_97 = arith.constant 0 : i32
      %dma_wait3A_98 = tpu.memref_slice %arg4[%add3A, %dma_wait3A_96, %dma_wait3A_97] : memref<32x128x80xi32, #tpu.memory_space<hbm>> -> memref<1x128x80xi32, #tpu.memory_space<hbm>>
      %dma_wait3A_99 = tpu.memref_squeeze %dma_wait3A_98 : memref<1x128x80xi32, #tpu.memory_space<hbm>> -> memref<128x80xi32, #tpu.memory_space<hbm>>
      tpu.wait_dma2 semaphore(%run_scoped3A : memref<!tpu.dma_semaphore, #tpu.memory_space<semaphore_mem>>) src(%dma_wait3A_99 : memref<128x80xi32, #tpu.memory_space<hbm>>) dst(%arg11 : memref<128x80xi32, #tpu.memory_space<vmem>>)
      tpu.yield
    }) : () -> ()
    "tpu.region"() ({
      %run_scoped3A = tpu.sem_alloc : memref<!tpu.dma_semaphore, #tpu.memory_space<semaphore_mem>>
      %dma_start3A_84 = arith.constant 0 : i32
      %dma_start3A_85 = tpu.memref_slice %arg17[%mul3A_2, %dma_start3A_84] : memref<10240x64xf32, #tpu.memory_space<vmem_shared>> -> memref<640x64xf32, #tpu.memory_space<vmem_shared>>
      %dma_start3A_86 = arith.constant 0 : i32
      %dma_start3A_87 = tpu.memref_slice %arg5[%mul3A_2, %dma_start3A_86] : memref<10240x64xf32, #tpu.memory_space<hbm>> -> memref<640x64xf32, #tpu.memory_space<hbm>>
      tpu.enqueue_dma source(%dma_start3A_87 : memref<640x64xf32, #tpu.memory_space<hbm>>) target(%dma_start3A_85 : memref<640x64xf32, #tpu.memory_space<vmem_shared>>) target_semaphore(%run_scoped3A : memref<!tpu.dma_semaphore, #tpu.memory_space<semaphore_mem>>)
      %dma_wait3A_88 = arith.constant 0 : i32
      %dma_wait3A_89 = tpu.memref_slice %arg17[%mul3A_2, %dma_wait3A_88] : memref<10240x64xf32, #tpu.memory_space<vmem_shared>> -> memref<640x64xf32, #tpu.memory_space<vmem_shared>>
      %dma_wait3A_90 = arith.constant 0 : i32
      %dma_wait3A_91 = tpu.memref_slice %arg5[%mul3A_2, %dma_wait3A_90] : memref<10240x64xf32, #tpu.memory_space<hbm>> -> memref<640x64xf32, #tpu.memory_space<hbm>>
      tpu.wait_dma2 semaphore(%run_scoped3A : memref<!tpu.dma_semaphore, #tpu.memory_space<semaphore_mem>>) src(%dma_wait3A_91 : memref<640x64xf32, #tpu.memory_space<hbm>>) dst(%dma_wait3A_89 : memref<640x64xf32, #tpu.memory_space<vmem_shared>>)
      tpu.yield
    }) : () -> ()
    "tpu.region"() ({
      %run_scoped3A = tpu.sem_alloc : memref<!tpu.dma_semaphore, #tpu.memory_space<semaphore_mem>>
      %dma_start3A_84 = arith.constant 0 : i32
      %dma_start3A_85 = tpu.memref_slice %arg18[%mul3A_2, %dma_start3A_84] : memref<10240x16xf32, #tpu.memory_space<vmem_shared>> -> memref<640x16xf32, #tpu.memory_space<vmem_shared>>
      %dma_start3A_86 = arith.constant 0 : i32
      %dma_start3A_87 = tpu.memref_slice %arg6[%mul3A_2, %dma_start3A_86] : memref<10240x16xf32, #tpu.memory_space<hbm>> -> memref<640x16xf32, #tpu.memory_space<hbm>>
      tpu.enqueue_dma source(%dma_start3A_87 : memref<640x16xf32, #tpu.memory_space<hbm>>) target(%dma_start3A_85 : memref<640x16xf32, #tpu.memory_space<vmem_shared>>) target_semaphore(%run_scoped3A : memref<!tpu.dma_semaphore, #tpu.memory_space<semaphore_mem>>)
      %dma_wait3A_88 = arith.constant 0 : i32
      %dma_wait3A_89 = tpu.memref_slice %arg18[%mul3A_2, %dma_wait3A_88] : memref<10240x16xf32, #tpu.memory_space<vmem_shared>> -> memref<640x16xf32, #tpu.memory_space<vmem_shared>>
      %dma_wait3A_90 = arith.constant 0 : i32
      %dma_wait3A_91 = tpu.memref_slice %arg6[%mul3A_2, %dma_wait3A_90] : memref<10240x16xf32, #tpu.memory_space<hbm>> -> memref<640x16xf32, #tpu.memory_space<hbm>>
      tpu.wait_dma2 semaphore(%run_scoped3A : memref<!tpu.dma_semaphore, #tpu.memory_space<semaphore_mem>>) src(%dma_wait3A_91 : memref<640x16xf32, #tpu.memory_space<hbm>>) dst(%dma_wait3A_89 : memref<640x16xf32, #tpu.memory_space<vmem_shared>>)
      tpu.yield
    }) : () -> ()
    "tpu.region"() ({
      %run_scoped3A = tpu.sem_alloc : memref<!tpu.dma_semaphore, #tpu.memory_space<semaphore_mem>>
      tpu.enqueue_dma source(%arg7 : memref<80x16xf32, #tpu.memory_space<hbm>>) target(%arg16 : memref<80x16xf32, #tpu.memory_space<vmem>>) target_semaphore(%run_scoped3A : memref<!tpu.dma_semaphore, #tpu.memory_space<semaphore_mem>>)
      tpu.wait_dma2 semaphore(%run_scoped3A : memref<!tpu.dma_semaphore, #tpu.memory_space<semaphore_mem>>) src(%arg7 : memref<80x16xf32, #tpu.memory_space<hbm>>) dst(%arg16 : memref<80x16xf32, #tpu.memory_space<vmem>>)
      tpu.yield
    }) : () -> ()
    %barrier3A = arith.constant 0 : index
    tpu.barrier barrier_id(%barrier3A)
    %dma_start3A = arith.constant 0 : i32
    %dma_start3A_3 = arith.constant 0 : i32
    %dma_start3A_4 = tpu.memref_slice %arg10[%dma_start3A, %dma_start3A_3] : memref<128x80xi32, #tpu.memory_space<vmem>> -> memref<1x80xi32, #tpu.memory_space<vmem>>
    %dma_start3A_5 = tpu.memref_squeeze %dma_start3A_4 : memref<1x80xi32, #tpu.memory_space<vmem>> -> memref<80xi32, #tpu.memory_space<vmem>>
    %dma_start3A_6 = arith.constant 0 : i32
    %dma_start3A_7 = arith.constant 0 : i32
    %dma_start3A_8 = tpu.memref_slice %arg2[%dma_start3A_6, %dma_start3A_7] : memref<10240x64xf32, #tpu.memory_space<hbm>> -> memref<10240x64xf32, #tpu.memory_space<hbm>>
    tpu.enqueue_indirect_dma source(%dma_start3A_8 : memref<10240x64xf32, #tpu.memory_space<hbm>>) target(%arg12 : memref<80x64xf32, #tpu.memory_space<vmem>>) offsets(%dma_start3A_5 : memref<80xi32, #tpu.memory_space<vmem>>) semaphore(%arg19 : memref<!tpu.dma_semaphore, #tpu.memory_space<semaphore_mem>>)
    %dma_start3A_9 = arith.constant 1 : i32
    %dma_start3A_10 = arith.constant 0 : i32
    %dma_start3A_11 = tpu.memref_slice %arg10[%dma_start3A_9, %dma_start3A_10] : memref<128x80xi32, #tpu.memory_space<vmem>> -> memref<1x80xi32, #tpu.memory_space<vmem>>
    %dma_start3A_12 = tpu.memref_squeeze %dma_start3A_11 : memref<1x80xi32, #tpu.memory_space<vmem>> -> memref<80xi32, #tpu.memory_space<vmem>>
    %dma_start3A_13 = arith.constant 0 : i32
    %dma_start3A_14 = arith.constant 0 : i32
    %dma_start3A_15 = tpu.memref_slice %arg2[%dma_start3A_13, %dma_start3A_14] : memref<10240x64xf32, #tpu.memory_space<hbm>> -> memref<10240x64xf32, #tpu.memory_space<hbm>>
    tpu.enqueue_indirect_dma source(%dma_start3A_15 : memref<10240x64xf32, #tpu.memory_space<hbm>>) target(%arg13 : memref<80x64xf32, #tpu.memory_space<vmem>>) offsets(%dma_start3A_12 : memref<80xi32, #tpu.memory_space<vmem>>) semaphore(%arg20 : memref<!tpu.dma_semaphore, #tpu.memory_space<semaphore_mem>>)
    %dma_start3A_16 = arith.constant 2 : i32
    %dma_start3A_17 = arith.constant 0 : i32
    %dma_start3A_18 = tpu.memref_slice %arg10[%dma_start3A_16, %dma_start3A_17] : memref<128x80xi32, #tpu.memory_space<vmem>> -> memref<1x80xi32, #tpu.memory_space<vmem>>
    %dma_start3A_19 = tpu.memref_squeeze %dma_start3A_18 : memref<1x80xi32, #tpu.memory_space<vmem>> -> memref<80xi32, #tpu.memory_space<vmem>>
    %dma_start3A_20 = arith.constant 0 : i32
    %dma_start3A_21 = arith.constant 0 : i32
    %dma_start3A_22 = tpu.memref_slice %arg2[%dma_start3A_20, %dma_start3A_21] : memref<10240x64xf32, #tpu.memory_space<hbm>> -> memref<10240x64xf32, #tpu.memory_space<hbm>>
    tpu.enqueue_indirect_dma source(%dma_start3A_22 : memref<10240x64xf32, #tpu.memory_space<hbm>>) target(%arg14 : memref<80x64xf32, #tpu.memory_space<vmem>>) offsets(%dma_start3A_19 : memref<80xi32, #tpu.memory_space<vmem>>) semaphore(%arg21 : memref<!tpu.dma_semaphore, #tpu.memory_space<semaphore_mem>>)
    %scan3A = arith.constant 0 : i32
    %scan3A_23 = arith.constant 0 : i32
    %scan3A_24 = arith.constant 32 : i32
    %scan3A_25 = arith.addi %scan3A_23, %scan3A_24 : i32
    %scan3A_26 = arith.constant 1 : i32
    scf.for %scan3A_84 = %scan3A_23 to %scan3A_25 step %scan3A_26  : i32 {
      %mul3A_85 = arith.constant 4 : i32
      %mul3A_86 = arith.muli %scan3A_84, %mul3A_85 : i32
      %add3A_87 = arith.constant 0 : i32
      %add3A_88 = arith.addi %mul3A_86, %add3A_87 : i32
      %ge3A = arith.constant 1 : i32
      %ge3A_89 = arith.cmpi sge, %add3A_88, %ge3A : i32
      %add3A_90 = arith.constant 3 : i32
      %add3A_91 = arith.addi %add3A_88, %add3A_90 : i32
      %lt3A = arith.constant 128 : i32
      %lt3A_92 = arith.cmpi slt, %add3A_91, %lt3A : i32
      %and3A = arith.andi %ge3A_89, %lt3A_92 : i1
      %convert_element_type3A = arith.extui %and3A : i1 to i32
      %cond3A = arith.constant 0 : i32
      %cond3A_93 = arith.cmpi ne, %convert_element_type3A, %cond3A : i32
      scf.if %cond3A_93 {
        %sub3A = arith.constant 1 : i32
        %sub3A_236 = arith.subi %add3A_88, %sub3A : i32
        %dma_wait3A_237 = arith.constant 0 : i32
        %dma_wait3A_238 = tpu.memref_slice %arg11[%sub3A_236, %dma_wait3A_237] : memref<128x80xi32, #tpu.memory_space<vmem>> -> memref<1x80xi32, #tpu.memory_space<vmem>>
        %dma_wait3A_239 = tpu.memref_squeeze %dma_wait3A_238 : memref<1x80xi32, #tpu.memory_space<vmem>> -> memref<80xi32, #tpu.memory_space<vmem>>
        %dma_wait3A_240 = arith.constant 0 : i32
        %dma_wait3A_241 = arith.constant 0 : i32
        %dma_wait3A_242 = tpu.memref_slice %arg17[%dma_wait3A_240, %dma_wait3A_241] : memref<10240x64xf32, #tpu.memory_space<vmem_shared>> -> memref<10240x64xf32, #tpu.memory_space<vmem_shared>>
        tpu.wait_indirect_dma semaphore(%arg26 : memref<!tpu.dma_semaphore, #tpu.memory_space<semaphore_mem>>) src(%arg15 : memref<80x64xf32, #tpu.memory_space<vmem>>) dst(%dma_wait3A_242 : memref<10240x64xf32, #tpu.memory_space<vmem_shared>>)
        %dma_wait3A_243 = arith.constant 0 : i32
        %dma_wait3A_244 = tpu.memref_slice %arg11[%sub3A_236, %dma_wait3A_243] : memref<128x80xi32, #tpu.memory_space<vmem>> -> memref<1x80xi32, #tpu.memory_space<vmem>>
        %dma_wait3A_245 = tpu.memref_squeeze %dma_wait3A_244 : memref<1x80xi32, #tpu.memory_space<vmem>> -> memref<80xi32, #tpu.memory_space<vmem>>
        %dma_wait3A_246 = arith.constant 0 : i32
        %dma_wait3A_247 = arith.constant 0 : i32
        %dma_wait3A_248 = tpu.memref_slice %arg18[%dma_wait3A_246, %dma_wait3A_247] : memref<10240x16xf32, #tpu.memory_space<vmem_shared>> -> memref<10240x16xf32, #tpu.memory_space<vmem_shared>>
        tpu.wait_indirect_dma semaphore(%arg30 : memref<!tpu.dma_semaphore, #tpu.memory_space<semaphore_mem>>) src(%arg16 : memref<80x16xf32, #tpu.memory_space<vmem>>) dst(%dma_wait3A_248 : memref<10240x16xf32, #tpu.memory_space<vmem_shared>>)
      } else {
      }
      %add3A_94 = arith.constant 3 : i32
      %add3A_95 = arith.addi %add3A_88, %add3A_94 : i32
      %lt3A_96 = arith.constant 128 : i32
      %lt3A_97 = arith.cmpi slt, %add3A_95, %lt3A_96 : i32
      %convert_element_type3A_98 = arith.extui %lt3A_97 : i1 to i32
      %cond3A_99 = arith.constant 0 : i32
      %cond3A_100 = arith.cmpi ne, %convert_element_type3A_98, %cond3A_99 : i32
      scf.if %cond3A_100 {
        %add3A_236 = arith.constant 3 : i32
        %add3A_237 = arith.addi %add3A_88, %add3A_236 : i32
        %dma_start3A_238 = arith.constant 0 : i32
        %dma_start3A_239 = tpu.memref_slice %arg10[%add3A_237, %dma_start3A_238] : memref<128x80xi32, #tpu.memory_space<vmem>> -> memref<1x80xi32, #tpu.memory_space<vmem>>
        %dma_start3A_240 = tpu.memref_squeeze %dma_start3A_239 : memref<1x80xi32, #tpu.memory_space<vmem>> -> memref<80xi32, #tpu.memory_space<vmem>>
        %dma_start3A_241 = arith.constant 0 : i32
        %dma_start3A_242 = arith.constant 0 : i32
        %dma_start3A_243 = tpu.memref_slice %arg2[%dma_start3A_241, %dma_start3A_242] : memref<10240x64xf32, #tpu.memory_space<hbm>> -> memref<10240x64xf32, #tpu.memory_space<hbm>>
        tpu.enqueue_indirect_dma source(%dma_start3A_243 : memref<10240x64xf32, #tpu.memory_space<hbm>>) target(%arg15 : memref<80x64xf32, #tpu.memory_space<vmem>>) offsets(%dma_start3A_240 : memref<80xi32, #tpu.memory_space<vmem>>) semaphore(%arg22 : memref<!tpu.dma_semaphore, #tpu.memory_space<semaphore_mem>>)
      } else {
      }
      %dma_wait3A_101 = arith.constant 0 : i32
      %dma_wait3A_102 = tpu.memref_slice %arg10[%add3A_88, %dma_wait3A_101] : memref<128x80xi32, #tpu.memory_space<vmem>> -> memref<1x80xi32, #tpu.memory_space<vmem>>
      %dma_wait3A_103 = tpu.memref_squeeze %dma_wait3A_102 : memref<1x80xi32, #tpu.memory_space<vmem>> -> memref<80xi32, #tpu.memory_space<vmem>>
      %dma_wait3A_104 = arith.constant 0 : i32
      %dma_wait3A_105 = arith.constant 0 : i32
      %dma_wait3A_106 = tpu.memref_slice %arg2[%dma_wait3A_104, %dma_wait3A_105] : memref<10240x64xf32, #tpu.memory_space<hbm>> -> memref<10240x64xf32, #tpu.memory_space<hbm>>
      tpu.wait_indirect_dma semaphore(%arg19 : memref<!tpu.dma_semaphore, #tpu.memory_space<semaphore_mem>>) src(%dma_wait3A_106 : memref<10240x64xf32, #tpu.memory_space<hbm>>) dst(%arg12 : memref<80x64xf32, #tpu.memory_space<vmem>>)
      %dma_start3A_107 = arith.constant 0 : i32
      %dma_start3A_108 = tpu.memref_slice %arg11[%add3A_88, %dma_start3A_107] : memref<128x80xi32, #tpu.memory_space<vmem>> -> memref<1x80xi32, #tpu.memory_space<vmem>>
      %dma_start3A_109 = tpu.memref_squeeze %dma_start3A_108 : memref<1x80xi32, #tpu.memory_space<vmem>> -> memref<80xi32, #tpu.memory_space<vmem>>
      %dma_start3A_110 = arith.constant 0 : i32
      %dma_start3A_111 = arith.constant 0 : i32
      %dma_start3A_112 = tpu.memref_slice %arg17[%dma_start3A_110, %dma_start3A_111] : memref<10240x64xf32, #tpu.memory_space<vmem_shared>> -> memref<10240x64xf32, #tpu.memory_space<vmem_shared>>
      tpu.enqueue_indirect_dma source(%arg12 : memref<80x64xf32, #tpu.memory_space<vmem>>) target(%dma_start3A_112 : memref<10240x64xf32, #tpu.memory_space<vmem_shared>>) offsets(%dma_start3A_109 : memref<80xi32, #tpu.memory_space<vmem>>) semaphore(%arg23 : memref<!tpu.dma_semaphore, #tpu.memory_space<semaphore_mem>>) {add = true}
      %dma_start3A_113 = arith.constant 0 : i32
      %dma_start3A_114 = tpu.memref_slice %arg11[%add3A_88, %dma_start3A_113] : memref<128x80xi32, #tpu.memory_space<vmem>> -> memref<1x80xi32, #tpu.memory_space<vmem>>
      %dma_start3A_115 = tpu.memref_squeeze %dma_start3A_114 : memref<1x80xi32, #tpu.memory_space<vmem>> -> memref<80xi32, #tpu.memory_space<vmem>>
      %dma_start3A_116 = arith.constant 0 : i32
      %dma_start3A_117 = arith.constant 0 : i32
      %dma_start3A_118 = tpu.memref_slice %arg18[%dma_start3A_116, %dma_start3A_117] : memref<10240x16xf32, #tpu.memory_space<vmem_shared>> -> memref<10240x16xf32, #tpu.memory_space<vmem_shared>>
      tpu.enqueue_indirect_dma source(%arg16 : memref<80x16xf32, #tpu.memory_space<vmem>>) target(%dma_start3A_118 : memref<10240x16xf32, #tpu.memory_space<vmem_shared>>) offsets(%dma_start3A_115 : memref<80xi32, #tpu.memory_space<vmem>>) semaphore(%arg27 : memref<!tpu.dma_semaphore, #tpu.memory_space<semaphore_mem>>) {add = true}
      %mul3A_119 = arith.constant 4 : i32
      %mul3A_120 = arith.muli %scan3A_84, %mul3A_119 : i32
      %add3A_121 = arith.constant 1 : i32
      %add3A_122 = arith.addi %mul3A_120, %add3A_121 : i32
      %ge3A_123 = arith.constant 1 : i32
      %ge3A_124 = arith.cmpi sge, %add3A_122, %ge3A_123 : i32
      %add3A_125 = arith.constant 3 : i32
      %add3A_126 = arith.addi %add3A_122, %add3A_125 : i32
      %lt3A_127 = arith.constant 128 : i32
      %lt3A_128 = arith.cmpi slt, %add3A_126, %lt3A_127 : i32
      %and3A_129 = arith.andi %ge3A_124, %lt3A_128 : i1
      %convert_element_type3A_130 = arith.extui %and3A_129 : i1 to i32
      %cond3A_131 = arith.constant 0 : i32
      %cond3A_132 = arith.cmpi ne, %convert_element_type3A_130, %cond3A_131 : i32
      scf.if %cond3A_132 {
        %sub3A = arith.constant 1 : i32
        %sub3A_236 = arith.subi %add3A_122, %sub3A : i32
        %dma_wait3A_237 = arith.constant 0 : i32
        %dma_wait3A_238 = tpu.memref_slice %arg11[%sub3A_236, %dma_wait3A_237] : memref<128x80xi32, #tpu.memory_space<vmem>> -> memref<1x80xi32, #tpu.memory_space<vmem>>
        %dma_wait3A_239 = tpu.memref_squeeze %dma_wait3A_238 : memref<1x80xi32, #tpu.memory_space<vmem>> -> memref<80xi32, #tpu.memory_space<vmem>>
        %dma_wait3A_240 = arith.constant 0 : i32
        %dma_wait3A_241 = arith.constant 0 : i32
        %dma_wait3A_242 = tpu.memref_slice %arg17[%dma_wait3A_240, %dma_wait3A_241] : memref<10240x64xf32, #tpu.memory_space<vmem_shared>> -> memref<10240x64xf32, #tpu.memory_space<vmem_shared>>
        tpu.wait_indirect_dma semaphore(%arg23 : memref<!tpu.dma_semaphore, #tpu.memory_space<semaphore_mem>>) src(%arg12 : memref<80x64xf32, #tpu.memory_space<vmem>>) dst(%dma_wait3A_242 : memref<10240x64xf32, #tpu.memory_space<vmem_shared>>)
        %dma_wait3A_243 = arith.constant 0 : i32
        %dma_wait3A_244 = tpu.memref_slice %arg11[%sub3A_236, %dma_wait3A_243] : memref<128x80xi32, #tpu.memory_space<vmem>> -> memref<1x80xi32, #tpu.memory_space<vmem>>
        %dma_wait3A_245 = tpu.memref_squeeze %dma_wait3A_244 : memref<1x80xi32, #tpu.memory_space<vmem>> -> memref<80xi32, #tpu.memory_space<vmem>>
        %dma_wait3A_246 = arith.constant 0 : i32
        %dma_wait3A_247 = arith.constant 0 : i32
        %dma_wait3A_248 = tpu.memref_slice %arg18[%dma_wait3A_246, %dma_wait3A_247] : memref<10240x16xf32, #tpu.memory_space<vmem_shared>> -> memref<10240x16xf32, #tpu.memory_space<vmem_shared>>
        tpu.wait_indirect_dma semaphore(%arg27 : memref<!tpu.dma_semaphore, #tpu.memory_space<semaphore_mem>>) src(%arg16 : memref<80x16xf32, #tpu.memory_space<vmem>>) dst(%dma_wait3A_248 : memref<10240x16xf32, #tpu.memory_space<vmem_shared>>)
      } else {
      }
      %add3A_133 = arith.constant 3 : i32
      %add3A_134 = arith.addi %add3A_122, %add3A_133 : i32
      %lt3A_135 = arith.constant 128 : i32
      %lt3A_136 = arith.cmpi slt, %add3A_134, %lt3A_135 : i32
      %convert_element_type3A_137 = arith.extui %lt3A_136 : i1 to i32
      %cond3A_138 = arith.constant 0 : i32
      %cond3A_139 = arith.cmpi ne, %convert_element_type3A_137, %cond3A_138 : i32
      scf.if %cond3A_139 {
        %add3A_236 = arith.constant 3 : i32
        %add3A_237 = arith.addi %add3A_122, %add3A_236 : i32
        %dma_start3A_238 = arith.constant 0 : i32
        %dma_start3A_239 = tpu.memref_slice %arg10[%add3A_237, %dma_start3A_238] : memref<128x80xi32, #tpu.memory_space<vmem>> -> memref<1x80xi32, #tpu.memory_space<vmem>>
        %dma_start3A_240 = tpu.memref_squeeze %dma_start3A_239 : memref<1x80xi32, #tpu.memory_space<vmem>> -> memref<80xi32, #tpu.memory_space<vmem>>
        %dma_start3A_241 = arith.constant 0 : i32
        %dma_start3A_242 = arith.constant 0 : i32
        %dma_start3A_243 = tpu.memref_slice %arg2[%dma_start3A_241, %dma_start3A_242] : memref<10240x64xf32, #tpu.memory_space<hbm>> -> memref<10240x64xf32, #tpu.memory_space<hbm>>
        tpu.enqueue_indirect_dma source(%dma_start3A_243 : memref<10240x64xf32, #tpu.memory_space<hbm>>) target(%arg12 : memref<80x64xf32, #tpu.memory_space<vmem>>) offsets(%dma_start3A_240 : memref<80xi32, #tpu.memory_space<vmem>>) semaphore(%arg19 : memref<!tpu.dma_semaphore, #tpu.memory_space<semaphore_mem>>)
      } else {
      }
      %dma_wait3A_140 = arith.constant 0 : i32
      %dma_wait3A_141 = tpu.memref_slice %arg10[%add3A_122, %dma_wait3A_140] : memref<128x80xi32, #tpu.memory_space<vmem>> -> memref<1x80xi32, #tpu.memory_space<vmem>>
      %dma_wait3A_142 = tpu.memref_squeeze %dma_wait3A_141 : memref<1x80xi32, #tpu.memory_space<vmem>> -> memref<80xi32, #tpu.memory_space<vmem>>
      %dma_wait3A_143 = arith.constant 0 : i32
      %dma_wait3A_144 = arith.constant 0 : i32
      %dma_wait3A_145 = tpu.memref_slice %arg2[%dma_wait3A_143, %dma_wait3A_144] : memref<10240x64xf32, #tpu.memory_space<hbm>> -> memref<10240x64xf32, #tpu.memory_space<hbm>>
      tpu.wait_indirect_dma semaphore(%arg20 : memref<!tpu.dma_semaphore, #tpu.memory_space<semaphore_mem>>) src(%dma_wait3A_145 : memref<10240x64xf32, #tpu.memory_space<hbm>>) dst(%arg13 : memref<80x64xf32, #tpu.memory_space<vmem>>)
      %dma_start3A_146 = arith.constant 0 : i32
      %dma_start3A_147 = tpu.memref_slice %arg11[%add3A_122, %dma_start3A_146] : memref<128x80xi32, #tpu.memory_space<vmem>> -> memref<1x80xi32, #tpu.memory_space<vmem>>
      %dma_start3A_148 = tpu.memref_squeeze %dma_start3A_147 : memref<1x80xi32, #tpu.memory_space<vmem>> -> memref<80xi32, #tpu.memory_space<vmem>>
      %dma_start3A_149 = arith.constant 0 : i32
      %dma_start3A_150 = arith.constant 0 : i32
      %dma_start3A_151 = tpu.memref_slice %arg17[%dma_start3A_149, %dma_start3A_150] : memref<10240x64xf32, #tpu.memory_space<vmem_shared>> -> memref<10240x64xf32, #tpu.memory_space<vmem_shared>>
      tpu.enqueue_indirect_dma source(%arg13 : memref<80x64xf32, #tpu.memory_space<vmem>>) target(%dma_start3A_151 : memref<10240x64xf32, #tpu.memory_space<vmem_shared>>) offsets(%dma_start3A_148 : memref<80xi32, #tpu.memory_space<vmem>>) semaphore(%arg24 : memref<!tpu.dma_semaphore, #tpu.memory_space<semaphore_mem>>) {add = true}
      %dma_start3A_152 = arith.constant 0 : i32
      %dma_start3A_153 = tpu.memref_slice %arg11[%add3A_122, %dma_start3A_152] : memref<128x80xi32, #tpu.memory_space<vmem>> -> memref<1x80xi32, #tpu.memory_space<vmem>>
      %dma_start3A_154 = tpu.memref_squeeze %dma_start3A_153 : memref<1x80xi32, #tpu.memory_space<vmem>> -> memref<80xi32, #tpu.memory_space<vmem>>
      %dma_start3A_155 = arith.constant 0 : i32
      %dma_start3A_156 = arith.constant 0 : i32
      %dma_start3A_157 = tpu.memref_slice %arg18[%dma_start3A_155, %dma_start3A_156] : memref<10240x16xf32, #tpu.memory_space<vmem_shared>> -> memref<10240x16xf32, #tpu.memory_space<vmem_shared>>
      tpu.enqueue_indirect_dma source(%arg16 : memref<80x16xf32, #tpu.memory_space<vmem>>) target(%dma_start3A_157 : memref<10240x16xf32, #tpu.memory_space<vmem_shared>>) offsets(%dma_start3A_154 : memref<80xi32, #tpu.memory_space<vmem>>) semaphore(%arg28 : memref<!tpu.dma_semaphore, #tpu.memory_space<semaphore_mem>>) {add = true}
      %mul3A_158 = arith.constant 4 : i32
      %mul3A_159 = arith.muli %scan3A_84, %mul3A_158 : i32
      %add3A_160 = arith.constant 2 : i32
      %add3A_161 = arith.addi %mul3A_159, %add3A_160 : i32
      %ge3A_162 = arith.constant 1 : i32
      %ge3A_163 = arith.cmpi sge, %add3A_161, %ge3A_162 : i32
      %add3A_164 = arith.constant 3 : i32
      %add3A_165 = arith.addi %add3A_161, %add3A_164 : i32
      %lt3A_166 = arith.constant 128 : i32
      %lt3A_167 = arith.cmpi slt, %add3A_165, %lt3A_166 : i32
      %and3A_168 = arith.andi %ge3A_163, %lt3A_167 : i1
      %convert_element_type3A_169 = arith.extui %and3A_168 : i1 to i32
      %cond3A_170 = arith.constant 0 : i32
      %cond3A_171 = arith.cmpi ne, %convert_element_type3A_169, %cond3A_170 : i32
      scf.if %cond3A_171 {
        %sub3A = arith.constant 1 : i32
        %sub3A_236 = arith.subi %add3A_161, %sub3A : i32
        %dma_wait3A_237 = arith.constant 0 : i32
        %dma_wait3A_238 = tpu.memref_slice %arg11[%sub3A_236, %dma_wait3A_237] : memref<128x80xi32, #tpu.memory_space<vmem>> -> memref<1x80xi32, #tpu.memory_space<vmem>>
        %dma_wait3A_239 = tpu.memref_squeeze %dma_wait3A_238 : memref<1x80xi32, #tpu.memory_space<vmem>> -> memref<80xi32, #tpu.memory_space<vmem>>
        %dma_wait3A_240 = arith.constant 0 : i32
        %dma_wait3A_241 = arith.constant 0 : i32
        %dma_wait3A_242 = tpu.memref_slice %arg17[%dma_wait3A_240, %dma_wait3A_241] : memref<10240x64xf32, #tpu.memory_space<vmem_shared>> -> memref<10240x64xf32, #tpu.memory_space<vmem_shared>>
        tpu.wait_indirect_dma semaphore(%arg24 : memref<!tpu.dma_semaphore, #tpu.memory_space<semaphore_mem>>) src(%arg13 : memref<80x64xf32, #tpu.memory_space<vmem>>) dst(%dma_wait3A_242 : memref<10240x64xf32, #tpu.memory_space<vmem_shared>>)
        %dma_wait3A_243 = arith.constant 0 : i32
        %dma_wait3A_244 = tpu.memref_slice %arg11[%sub3A_236, %dma_wait3A_243] : memref<128x80xi32, #tpu.memory_space<vmem>> -> memref<1x80xi32, #tpu.memory_space<vmem>>
        %dma_wait3A_245 = tpu.memref_squeeze %dma_wait3A_244 : memref<1x80xi32, #tpu.memory_space<vmem>> -> memref<80xi32, #tpu.memory_space<vmem>>
        %dma_wait3A_246 = arith.constant 0 : i32
        %dma_wait3A_247 = arith.constant 0 : i32
        %dma_wait3A_248 = tpu.memref_slice %arg18[%dma_wait3A_246, %dma_wait3A_247] : memref<10240x16xf32, #tpu.memory_space<vmem_shared>> -> memref<10240x16xf32, #tpu.memory_space<vmem_shared>>
        tpu.wait_indirect_dma semaphore(%arg28 : memref<!tpu.dma_semaphore, #tpu.memory_space<semaphore_mem>>) src(%arg16 : memref<80x16xf32, #tpu.memory_space<vmem>>) dst(%dma_wait3A_248 : memref<10240x16xf32, #tpu.memory_space<vmem_shared>>)
      } else {
      }
      %add3A_172 = arith.constant 3 : i32
      %add3A_173 = arith.addi %add3A_161, %add3A_172 : i32
      %lt3A_174 = arith.constant 128 : i32
      %lt3A_175 = arith.cmpi slt, %add3A_173, %lt3A_174 : i32
      %convert_element_type3A_176 = arith.extui %lt3A_175 : i1 to i32
      %cond3A_177 = arith.constant 0 : i32
      %cond3A_178 = arith.cmpi ne, %convert_element_type3A_176, %cond3A_177 : i32
      scf.if %cond3A_178 {
        %add3A_236 = arith.constant 3 : i32
        %add3A_237 = arith.addi %add3A_161, %add3A_236 : i32
        %dma_start3A_238 = arith.constant 0 : i32
        %dma_start3A_239 = tpu.memref_slice %arg10[%add3A_237, %dma_start3A_238] : memref<128x80xi32, #tpu.memory_space<vmem>> -> memref<1x80xi32, #tpu.memory_space<vmem>>
        %dma_start3A_240 = tpu.memref_squeeze %dma_start3A_239 : memref<1x80xi32, #tpu.memory_space<vmem>> -> memref<80xi32, #tpu.memory_space<vmem>>
        %dma_start3A_241 = arith.constant 0 : i32
        %dma_start3A_242 = arith.constant 0 : i32
        %dma_start3A_243 = tpu.memref_slice %arg2[%dma_start3A_241, %dma_start3A_242] : memref<10240x64xf32, #tpu.memory_space<hbm>> -> memref<10240x64xf32, #tpu.memory_space<hbm>>
        tpu.enqueue_indirect_dma source(%dma_start3A_243 : memref<10240x64xf32, #tpu.memory_space<hbm>>) target(%arg13 : memref<80x64xf32, #tpu.memory_space<vmem>>) offsets(%dma_start3A_240 : memref<80xi32, #tpu.memory_space<vmem>>) semaphore(%arg20 : memref<!tpu.dma_semaphore, #tpu.memory_space<semaphore_mem>>)
      } else {
      }
      %dma_wait3A_179 = arith.constant 0 : i32
      %dma_wait3A_180 = tpu.memref_slice %arg10[%add3A_161, %dma_wait3A_179] : memref<128x80xi32, #tpu.memory_space<vmem>> -> memref<1x80xi32, #tpu.memory_space<vmem>>
      %dma_wait3A_181 = tpu.memref_squeeze %dma_wait3A_180 : memref<1x80xi32, #tpu.memory_space<vmem>> -> memref<80xi32, #tpu.memory_space<vmem>>
      %dma_wait3A_182 = arith.constant 0 : i32
      %dma_wait3A_183 = arith.constant 0 : i32
      %dma_wait3A_184 = tpu.memref_slice %arg2[%dma_wait3A_182, %dma_wait3A_183] : memref<10240x64xf32, #tpu.memory_space<hbm>> -> memref<10240x64xf32, #tpu.memory_space<hbm>>
      tpu.wait_indirect_dma semaphore(%arg21 : memref<!tpu.dma_semaphore, #tpu.memory_space<semaphore_mem>>) src(%dma_wait3A_184 : memref<10240x64xf32, #tpu.memory_space<hbm>>) dst(%arg14 : memref<80x64xf32, #tpu.memory_space<vmem>>)
      %dma_start3A_185 = arith.constant 0 : i32
      %dma_start3A_186 = tpu.memref_slice %arg11[%add3A_161, %dma_start3A_185] : memref<128x80xi32, #tpu.memory_space<vmem>> -> memref<1x80xi32, #tpu.memory_space<vmem>>
      %dma_start3A_187 = tpu.memref_squeeze %dma_start3A_186 : memref<1x80xi32, #tpu.memory_space<vmem>> -> memref<80xi32, #tpu.memory_space<vmem>>
      %dma_start3A_188 = arith.constant 0 : i32
      %dma_start3A_189 = arith.constant 0 : i32
      %dma_start3A_190 = tpu.memref_slice %arg17[%dma_start3A_188, %dma_start3A_189] : memref<10240x64xf32, #tpu.memory_space<vmem_shared>> -> memref<10240x64xf32, #tpu.memory_space<vmem_shared>>
      tpu.enqueue_indirect_dma source(%arg14 : memref<80x64xf32, #tpu.memory_space<vmem>>) target(%dma_start3A_190 : memref<10240x64xf32, #tpu.memory_space<vmem_shared>>) offsets(%dma_start3A_187 : memref<80xi32, #tpu.memory_space<vmem>>) semaphore(%arg25 : memref<!tpu.dma_semaphore, #tpu.memory_space<semaphore_mem>>) {add = true}
      %dma_start3A_191 = arith.constant 0 : i32
      %dma_start3A_192 = tpu.memref_slice %arg11[%add3A_161, %dma_start3A_191] : memref<128x80xi32, #tpu.memory_space<vmem>> -> memref<1x80xi32, #tpu.memory_space<vmem>>
      %dma_start3A_193 = tpu.memref_squeeze %dma_start3A_192 : memref<1x80xi32, #tpu.memory_space<vmem>> -> memref<80xi32, #tpu.memory_space<vmem>>
      %dma_start3A_194 = arith.constant 0 : i32
      %dma_start3A_195 = arith.constant 0 : i32
      %dma_start3A_196 = tpu.memref_slice %arg18[%dma_start3A_194, %dma_start3A_195] : memref<10240x16xf32, #tpu.memory_space<vmem_shared>> -> memref<10240x16xf32, #tpu.memory_space<vmem_shared>>
      tpu.enqueue_indirect_dma source(%arg16 : memref<80x16xf32, #tpu.memory_space<vmem>>) target(%dma_start3A_196 : memref<10240x16xf32, #tpu.memory_space<vmem_shared>>) offsets(%dma_start3A_193 : memref<80xi32, #tpu.memory_space<vmem>>) semaphore(%arg29 : memref<!tpu.dma_semaphore, #tpu.memory_space<semaphore_mem>>) {add = true}
      %mul3A_197 = arith.constant 4 : i32
      %mul3A_198 = arith.muli %scan3A_84, %mul3A_197 : i32
      %add3A_199 = arith.constant 3 : i32
      %add3A_200 = arith.addi %mul3A_198, %add3A_199 : i32
      %ge3A_201 = arith.constant 1 : i32
      %ge3A_202 = arith.cmpi sge, %add3A_200, %ge3A_201 : i32
      %add3A_203 = arith.constant 3 : i32
      %add3A_204 = arith.addi %add3A_200, %add3A_203 : i32
      %lt3A_205 = arith.constant 128 : i32
      %lt3A_206 = arith.cmpi slt, %add3A_204, %lt3A_205 : i32
      %and3A_207 = arith.andi %ge3A_202, %lt3A_206 : i1
      %convert_element_type3A_208 = arith.extui %and3A_207 : i1 to i32
      %cond3A_209 = arith.constant 0 : i32
      %cond3A_210 = arith.cmpi ne, %convert_element_type3A_208, %cond3A_209 : i32
      scf.if %cond3A_210 {
        %sub3A = arith.constant 1 : i32
        %sub3A_236 = arith.subi %add3A_200, %sub3A : i32
        %dma_wait3A_237 = arith.constant 0 : i32
        %dma_wait3A_238 = tpu.memref_slice %arg11[%sub3A_236, %dma_wait3A_237] : memref<128x80xi32, #tpu.memory_space<vmem>> -> memref<1x80xi32, #tpu.memory_space<vmem>>
        %dma_wait3A_239 = tpu.memref_squeeze %dma_wait3A_238 : memref<1x80xi32, #tpu.memory_space<vmem>> -> memref<80xi32, #tpu.memory_space<vmem>>
        %dma_wait3A_240 = arith.constant 0 : i32
        %dma_wait3A_241 = arith.constant 0 : i32
        %dma_wait3A_242 = tpu.memref_slice %arg17[%dma_wait3A_240, %dma_wait3A_241] : memref<10240x64xf32, #tpu.memory_space<vmem_shared>> -> memref<10240x64xf32, #tpu.memory_space<vmem_shared>>
        tpu.wait_indirect_dma semaphore(%arg25 : memref<!tpu.dma_semaphore, #tpu.memory_space<semaphore_mem>>) src(%arg14 : memref<80x64xf32, #tpu.memory_space<vmem>>) dst(%dma_wait3A_242 : memref<10240x64xf32, #tpu.memory_space<vmem_shared>>)
        %dma_wait3A_243 = arith.constant 0 : i32
        %dma_wait3A_244 = tpu.memref_slice %arg11[%sub3A_236, %dma_wait3A_243] : memref<128x80xi32, #tpu.memory_space<vmem>> -> memref<1x80xi32, #tpu.memory_space<vmem>>
        %dma_wait3A_245 = tpu.memref_squeeze %dma_wait3A_244 : memref<1x80xi32, #tpu.memory_space<vmem>> -> memref<80xi32, #tpu.memory_space<vmem>>
        %dma_wait3A_246 = arith.constant 0 : i32
        %dma_wait3A_247 = arith.constant 0 : i32
        %dma_wait3A_248 = tpu.memref_slice %arg18[%dma_wait3A_246, %dma_wait3A_247] : memref<10240x16xf32, #tpu.memory_space<vmem_shared>> -> memref<10240x16xf32, #tpu.memory_space<vmem_shared>>
        tpu.wait_indirect_dma semaphore(%arg29 : memref<!tpu.dma_semaphore, #tpu.memory_space<semaphore_mem>>) src(%arg16 : memref<80x16xf32, #tpu.memory_space<vmem>>) dst(%dma_wait3A_248 : memref<10240x16xf32, #tpu.memory_space<vmem_shared>>)
      } else {
      }
      %add3A_211 = arith.constant 3 : i32
      %add3A_212 = arith.addi %add3A_200, %add3A_211 : i32
      %lt3A_213 = arith.constant 128 : i32
      %lt3A_214 = arith.cmpi slt, %add3A_212, %lt3A_213 : i32
      %convert_element_type3A_215 = arith.extui %lt3A_214 : i1 to i32
      %cond3A_216 = arith.constant 0 : i32
      %cond3A_217 = arith.cmpi ne, %convert_element_type3A_215, %cond3A_216 : i32
      scf.if %cond3A_217 {
        %add3A_236 = arith.constant 3 : i32
        %add3A_237 = arith.addi %add3A_200, %add3A_236 : i32
        %dma_start3A_238 = arith.constant 0 : i32
        %dma_start3A_239 = tpu.memref_slice %arg10[%add3A_237, %dma_start3A_238] : memref<128x80xi32, #tpu.memory_space<vmem>> -> memref<1x80xi32, #tpu.memory_space<vmem>>
        %dma_start3A_240 = tpu.memref_squeeze %dma_start3A_239 : memref<1x80xi32, #tpu.memory_space<vmem>> -> memref<80xi32, #tpu.memory_space<vmem>>
        %dma_start3A_241 = arith.constant 0 : i32
        %dma_start3A_242 = arith.constant 0 : i32
        %dma_start3A_243 = tpu.memref_slice %arg2[%dma_start3A_241, %dma_start3A_242] : memref<10240x64xf32, #tpu.memory_space<hbm>> -> memref<10240x64xf32, #tpu.memory_space<hbm>>
        tpu.enqueue_indirect_dma source(%dma_start3A_243 : memref<10240x64xf32, #tpu.memory_space<hbm>>) target(%arg14 : memref<80x64xf32, #tpu.memory_space<vmem>>) offsets(%dma_start3A_240 : memref<80xi32, #tpu.memory_space<vmem>>) semaphore(%arg21 : memref<!tpu.dma_semaphore, #tpu.memory_space<semaphore_mem>>)
      } else {
      }
      %dma_wait3A_218 = arith.constant 0 : i32
      %dma_wait3A_219 = tpu.memref_slice %arg10[%add3A_200, %dma_wait3A_218] : memref<128x80xi32, #tpu.memory_space<vmem>> -> memref<1x80xi32, #tpu.memory_space<vmem>>
      %dma_wait3A_220 = tpu.memref_squeeze %dma_wait3A_219 : memref<1x80xi32, #tpu.memory_space<vmem>> -> memref<80xi32, #tpu.memory_space<vmem>>
      %dma_wait3A_221 = arith.constant 0 : i32
      %dma_wait3A_222 = arith.constant 0 : i32
      %dma_wait3A_223 = tpu.memref_slice %arg2[%dma_wait3A_221, %dma_wait3A_222] : memref<10240x64xf32, #tpu.memory_space<hbm>> -> memref<10240x64xf32, #tpu.memory_space<hbm>>
      tpu.wait_indirect_dma semaphore(%arg22 : memref<!tpu.dma_semaphore, #tpu.memory_space<semaphore_mem>>) src(%dma_wait3A_223 : memref<10240x64xf32, #tpu.memory_space<hbm>>) dst(%arg15 : memref<80x64xf32, #tpu.memory_space<vmem>>)
      %dma_start3A_224 = arith.constant 0 : i32
      %dma_start3A_225 = tpu.memref_slice %arg11[%add3A_200, %dma_start3A_224] : memref<128x80xi32, #tpu.memory_space<vmem>> -> memref<1x80xi32, #tpu.memory_space<vmem>>
      %dma_start3A_226 = tpu.memref_squeeze %dma_start3A_225 : memref<1x80xi32, #tpu.memory_space<vmem>> -> memref<80xi32, #tpu.memory_space<vmem>>
      %dma_start3A_227 = arith.constant 0 : i32
      %dma_start3A_228 = arith.constant 0 : i32
      %dma_start3A_229 = tpu.memref_slice %arg17[%dma_start3A_227, %dma_start3A_228] : memref<10240x64xf32, #tpu.memory_space<vmem_shared>> -> memref<10240x64xf32, #tpu.memory_space<vmem_shared>>
      tpu.enqueue_indirect_dma source(%arg15 : memref<80x64xf32, #tpu.memory_space<vmem>>) target(%dma_start3A_229 : memref<10240x64xf32, #tpu.memory_space<vmem_shared>>) offsets(%dma_start3A_226 : memref<80xi32, #tpu.memory_space<vmem>>) semaphore(%arg26 : memref<!tpu.dma_semaphore, #tpu.memory_space<semaphore_mem>>) {add = true}
      %dma_start3A_230 = arith.constant 0 : i32
      %dma_start3A_231 = tpu.memref_slice %arg11[%add3A_200, %dma_start3A_230] : memref<128x80xi32, #tpu.memory_space<vmem>> -> memref<1x80xi32, #tpu.memory_space<vmem>>
      %dma_start3A_232 = tpu.memref_squeeze %dma_start3A_231 : memref<1x80xi32, #tpu.memory_space<vmem>> -> memref<80xi32, #tpu.memory_space<vmem>>
      %dma_start3A_233 = arith.constant 0 : i32
      %dma_start3A_234 = arith.constant 0 : i32
      %dma_start3A_235 = tpu.memref_slice %arg18[%dma_start3A_233, %dma_start3A_234] : memref<10240x16xf32, #tpu.memory_space<vmem_shared>> -> memref<10240x16xf32, #tpu.memory_space<vmem_shared>>
      tpu.enqueue_indirect_dma source(%arg16 : memref<80x16xf32, #tpu.memory_space<vmem>>) target(%dma_start3A_235 : memref<10240x16xf32, #tpu.memory_space<vmem_shared>>) offsets(%dma_start3A_232 : memref<80xi32, #tpu.memory_space<vmem>>) semaphore(%arg30 : memref<!tpu.dma_semaphore, #tpu.memory_space<semaphore_mem>>) {add = true}
    }
    %scan3A_27 = arith.constant 32 : i32
    %dma_wait3A = arith.constant 124 : i32
    %dma_wait3A_28 = arith.constant 0 : i32
    %dma_wait3A_29 = tpu.memref_slice %arg11[%dma_wait3A, %dma_wait3A_28] : memref<128x80xi32, #tpu.memory_space<vmem>> -> memref<1x80xi32, #tpu.memory_space<vmem>>
    %dma_wait3A_30 = tpu.memref_squeeze %dma_wait3A_29 : memref<1x80xi32, #tpu.memory_space<vmem>> -> memref<80xi32, #tpu.memory_space<vmem>>
    %dma_wait3A_31 = arith.constant 0 : i32
    %dma_wait3A_32 = arith.constant 0 : i32
    %dma_wait3A_33 = tpu.memref_slice %arg17[%dma_wait3A_31, %dma_wait3A_32] : memref<10240x64xf32, #tpu.memory_space<vmem_shared>> -> memref<10240x64xf32, #tpu.memory_space<vmem_shared>>
    tpu.wait_indirect_dma semaphore(%arg23 : memref<!tpu.dma_semaphore, #tpu.memory_space<semaphore_mem>>) src(%arg12 : memref<80x64xf32, #tpu.memory_space<vmem>>) dst(%dma_wait3A_33 : memref<10240x64xf32, #tpu.memory_space<vmem_shared>>)
    %dma_wait3A_34 = arith.constant 124 : i32
    %dma_wait3A_35 = arith.constant 0 : i32
    %dma_wait3A_36 = tpu.memref_slice %arg11[%dma_wait3A_34, %dma_wait3A_35] : memref<128x80xi32, #tpu.memory_space<vmem>> -> memref<1x80xi32, #tpu.memory_space<vmem>>
    %dma_wait3A_37 = tpu.memref_squeeze %dma_wait3A_36 : memref<1x80xi32, #tpu.memory_space<vmem>> -> memref<80xi32, #tpu.memory_space<vmem>>
    %dma_wait3A_38 = arith.constant 0 : i32
    %dma_wait3A_39 = arith.constant 0 : i32
    %dma_wait3A_40 = tpu.memref_slice %arg18[%dma_wait3A_38, %dma_wait3A_39] : memref<10240x16xf32, #tpu.memory_space<vmem_shared>> -> memref<10240x16xf32, #tpu.memory_space<vmem_shared>>
    tpu.wait_indirect_dma semaphore(%arg27 : memref<!tpu.dma_semaphore, #tpu.memory_space<semaphore_mem>>) src(%arg16 : memref<80x16xf32, #tpu.memory_space<vmem>>) dst(%dma_wait3A_40 : memref<10240x16xf32, #tpu.memory_space<vmem_shared>>)
    %dma_wait3A_41 = arith.constant 125 : i32
    %dma_wait3A_42 = arith.constant 0 : i32
    %dma_wait3A_43 = tpu.memref_slice %arg11[%dma_wait3A_41, %dma_wait3A_42] : memref<128x80xi32, #tpu.memory_space<vmem>> -> memref<1x80xi32, #tpu.memory_space<vmem>>
    %dma_wait3A_44 = tpu.memref_squeeze %dma_wait3A_43 : memref<1x80xi32, #tpu.memory_space<vmem>> -> memref<80xi32, #tpu.memory_space<vmem>>
    %dma_wait3A_45 = arith.constant 0 : i32
    %dma_wait3A_46 = arith.constant 0 : i32
    %dma_wait3A_47 = tpu.memref_slice %arg17[%dma_wait3A_45, %dma_wait3A_46] : memref<10240x64xf32, #tpu.memory_space<vmem_shared>> -> memref<10240x64xf32, #tpu.memory_space<vmem_shared>>
    tpu.wait_indirect_dma semaphore(%arg24 : memref<!tpu.dma_semaphore, #tpu.memory_space<semaphore_mem>>) src(%arg13 : memref<80x64xf32, #tpu.memory_space<vmem>>) dst(%dma_wait3A_47 : memref<10240x64xf32, #tpu.memory_space<vmem_shared>>)
    %dma_wait3A_48 = arith.constant 125 : i32
    %dma_wait3A_49 = arith.constant 0 : i32
    %dma_wait3A_50 = tpu.memref_slice %arg11[%dma_wait3A_48, %dma_wait3A_49] : memref<128x80xi32, #tpu.memory_space<vmem>> -> memref<1x80xi32, #tpu.memory_space<vmem>>
    %dma_wait3A_51 = tpu.memref_squeeze %dma_wait3A_50 : memref<1x80xi32, #tpu.memory_space<vmem>> -> memref<80xi32, #tpu.memory_space<vmem>>
    %dma_wait3A_52 = arith.constant 0 : i32
    %dma_wait3A_53 = arith.constant 0 : i32
    %dma_wait3A_54 = tpu.memref_slice %arg18[%dma_wait3A_52, %dma_wait3A_53] : memref<10240x16xf32, #tpu.memory_space<vmem_shared>> -> memref<10240x16xf32, #tpu.memory_space<vmem_shared>>
    tpu.wait_indirect_dma semaphore(%arg28 : memref<!tpu.dma_semaphore, #tpu.memory_space<semaphore_mem>>) src(%arg16 : memref<80x16xf32, #tpu.memory_space<vmem>>) dst(%dma_wait3A_54 : memref<10240x16xf32, #tpu.memory_space<vmem_shared>>)
    %dma_wait3A_55 = arith.constant 126 : i32
    %dma_wait3A_56 = arith.constant 0 : i32
    %dma_wait3A_57 = tpu.memref_slice %arg11[%dma_wait3A_55, %dma_wait3A_56] : memref<128x80xi32, #tpu.memory_space<vmem>> -> memref<1x80xi32, #tpu.memory_space<vmem>>
    %dma_wait3A_58 = tpu.memref_squeeze %dma_wait3A_57 : memref<1x80xi32, #tpu.memory_space<vmem>> -> memref<80xi32, #tpu.memory_space<vmem>>
    %dma_wait3A_59 = arith.constant 0 : i32
    %dma_wait3A_60 = arith.constant 0 : i32
    %dma_wait3A_61 = tpu.memref_slice %arg17[%dma_wait3A_59, %dma_wait3A_60] : memref<10240x64xf32, #tpu.memory_space<vmem_shared>> -> memref<10240x64xf32, #tpu.memory_space<vmem_shared>>
    tpu.wait_indirect_dma semaphore(%arg25 : memref<!tpu.dma_semaphore, #tpu.memory_space<semaphore_mem>>) src(%arg14 : memref<80x64xf32, #tpu.memory_space<vmem>>) dst(%dma_wait3A_61 : memref<10240x64xf32, #tpu.memory_space<vmem_shared>>)
    %dma_wait3A_62 = arith.constant 126 : i32
    %dma_wait3A_63 = arith.constant 0 : i32
    %dma_wait3A_64 = tpu.memref_slice %arg11[%dma_wait3A_62, %dma_wait3A_63] : memref<128x80xi32, #tpu.memory_space<vmem>> -> memref<1x80xi32, #tpu.memory_space<vmem>>
    %dma_wait3A_65 = tpu.memref_squeeze %dma_wait3A_64 : memref<1x80xi32, #tpu.memory_space<vmem>> -> memref<80xi32, #tpu.memory_space<vmem>>
    %dma_wait3A_66 = arith.constant 0 : i32
    %dma_wait3A_67 = arith.constant 0 : i32
    %dma_wait3A_68 = tpu.memref_slice %arg18[%dma_wait3A_66, %dma_wait3A_67] : memref<10240x16xf32, #tpu.memory_space<vmem_shared>> -> memref<10240x16xf32, #tpu.memory_space<vmem_shared>>
    tpu.wait_indirect_dma semaphore(%arg29 : memref<!tpu.dma_semaphore, #tpu.memory_space<semaphore_mem>>) src(%arg16 : memref<80x16xf32, #tpu.memory_space<vmem>>) dst(%dma_wait3A_68 : memref<10240x16xf32, #tpu.memory_space<vmem_shared>>)
    %dma_wait3A_69 = arith.constant 127 : i32
    %dma_wait3A_70 = arith.constant 0 : i32
    %dma_wait3A_71 = tpu.memref_slice %arg11[%dma_wait3A_69, %dma_wait3A_70] : memref<128x80xi32, #tpu.memory_space<vmem>> -> memref<1x80xi32, #tpu.memory_space<vmem>>
    %dma_wait3A_72 = tpu.memref_squeeze %dma_wait3A_71 : memref<1x80xi32, #tpu.memory_space<vmem>> -> memref<80xi32, #tpu.memory_space<vmem>>
    %dma_wait3A_73 = arith.constant 0 : i32
    %dma_wait3A_74 = arith.constant 0 : i32
    %dma_wait3A_75 = tpu.memref_slice %arg17[%dma_wait3A_73, %dma_wait3A_74] : memref<10240x64xf32, #tpu.memory_space<vmem_shared>> -> memref<10240x64xf32, #tpu.memory_space<vmem_shared>>
    tpu.wait_indirect_dma semaphore(%arg26 : memref<!tpu.dma_semaphore, #tpu.memory_space<semaphore_mem>>) src(%arg15 : memref<80x64xf32, #tpu.memory_space<vmem>>) dst(%dma_wait3A_75 : memref<10240x64xf32, #tpu.memory_space<vmem_shared>>)
    %dma_wait3A_76 = arith.constant 127 : i32
    %dma_wait3A_77 = arith.constant 0 : i32
    %dma_wait3A_78 = tpu.memref_slice %arg11[%dma_wait3A_76, %dma_wait3A_77] : memref<128x80xi32, #tpu.memory_space<vmem>> -> memref<1x80xi32, #tpu.memory_space<vmem>>
    %dma_wait3A_79 = tpu.memref_squeeze %dma_wait3A_78 : memref<1x80xi32, #tpu.memory_space<vmem>> -> memref<80xi32, #tpu.memory_space<vmem>>
    %dma_wait3A_80 = arith.constant 0 : i32
    %dma_wait3A_81 = arith.constant 0 : i32
    %dma_wait3A_82 = tpu.memref_slice %arg18[%dma_wait3A_80, %dma_wait3A_81] : memref<10240x16xf32, #tpu.memory_space<vmem_shared>> -> memref<10240x16xf32, #tpu.memory_space<vmem_shared>>
    tpu.wait_indirect_dma semaphore(%arg30 : memref<!tpu.dma_semaphore, #tpu.memory_space<semaphore_mem>>) src(%arg16 : memref<80x16xf32, #tpu.memory_space<vmem>>) dst(%dma_wait3A_82 : memref<10240x16xf32, #tpu.memory_space<vmem_shared>>)
    %barrier3A_83 = arith.constant 0 : index
    tpu.barrier barrier_id(%barrier3A_83)
    "tpu.region"() ({
      %run_scoped3A = tpu.sem_alloc : memref<!tpu.dma_semaphore, #tpu.memory_space<semaphore_mem>>
      %dma_start3A_84 = arith.constant 0 : i32
      %dma_start3A_85 = tpu.memref_slice %arg8[%arg0, %mul3A_2, %dma_start3A_84] : memref<2x10240x64xf32, #tpu.memory_space<hbm>> -> memref<1x640x64xf32, #tpu.memory_space<hbm>>
      %dma_start3A_86 = tpu.memref_squeeze %dma_start3A_85 : memref<1x640x64xf32, #tpu.memory_space<hbm>> -> memref<640x64xf32, #tpu.memory_space<hbm>>
      %dma_start3A_87 = arith.constant 0 : i32
      %dma_start3A_88 = tpu.memref_slice %arg17[%mul3A_2, %dma_start3A_87] : memref<10240x64xf32, #tpu.memory_space<vmem_shared>> -> memref<640x64xf32, #tpu.memory_space<vmem_shared>>
      tpu.enqueue_dma source(%dma_start3A_88 : memref<640x64xf32, #tpu.memory_space<vmem_shared>>) target(%dma_start3A_86 : memref<640x64xf32, #tpu.memory_space<hbm>>) target_semaphore(%run_scoped3A : memref<!tpu.dma_semaphore, #tpu.memory_space<semaphore_mem>>)
      %dma_wait3A_89 = arith.constant 0 : i32
      %dma_wait3A_90 = tpu.memref_slice %arg8[%arg0, %mul3A_2, %dma_wait3A_89] : memref<2x10240x64xf32, #tpu.memory_space<hbm>> -> memref<1x640x64xf32, #tpu.memory_space<hbm>>
      %dma_wait3A_91 = tpu.memref_squeeze %dma_wait3A_90 : memref<1x640x64xf32, #tpu.memory_space<hbm>> -> memref<640x64xf32, #tpu.memory_space<hbm>>
      %dma_wait3A_92 = arith.constant 0 : i32
      %dma_wait3A_93 = tpu.memref_slice %arg17[%mul3A_2, %dma_wait3A_92] : memref<10240x64xf32, #tpu.memory_space<vmem_shared>> -> memref<640x64xf32, #tpu.memory_space<vmem_shared>>
      tpu.wait_dma2 semaphore(%run_scoped3A : memref<!tpu.dma_semaphore, #tpu.memory_space<semaphore_mem>>) src(%dma_wait3A_93 : memref<640x64xf32, #tpu.memory_space<vmem_shared>>) dst(%dma_wait3A_91 : memref<640x64xf32, #tpu.memory_space<hbm>>)
      tpu.yield
    }) : () -> ()
    "tpu.region"() ({
      %run_scoped3A = tpu.sem_alloc : memref<!tpu.dma_semaphore, #tpu.memory_space<semaphore_mem>>
      %dma_start3A_84 = arith.constant 0 : i32
      %dma_start3A_85 = tpu.memref_slice %arg9[%arg0, %mul3A_2, %dma_start3A_84] : memref<2x10240x16xf32, #tpu.memory_space<hbm>> -> memref<1x640x16xf32, #tpu.memory_space<hbm>>
      %dma_start3A_86 = tpu.memref_squeeze %dma_start3A_85 : memref<1x640x16xf32, #tpu.memory_space<hbm>> -> memref<640x16xf32, #tpu.memory_space<hbm>>
      %dma_start3A_87 = arith.constant 0 : i32
      %dma_start3A_88 = tpu.memref_slice %arg18[%mul3A_2, %dma_start3A_87] : memref<10240x16xf32, #tpu.memory_space<vmem_shared>> -> memref<640x16xf32, #tpu.memory_space<vmem_shared>>
      tpu.enqueue_dma source(%dma_start3A_88 : memref<640x16xf32, #tpu.memory_space<vmem_shared>>) target(%dma_start3A_86 : memref<640x16xf32, #tpu.memory_space<hbm>>) target_semaphore(%run_scoped3A : memref<!tpu.dma_semaphore, #tpu.memory_space<semaphore_mem>>)
      %dma_wait3A_89 = arith.constant 0 : i32
      %dma_wait3A_90 = tpu.memref_slice %arg9[%arg0, %mul3A_2, %dma_wait3A_89] : memref<2x10240x16xf32, #tpu.memory_space<hbm>> -> memref<1x640x16xf32, #tpu.memory_space<hbm>>
      %dma_wait3A_91 = tpu.memref_squeeze %dma_wait3A_90 : memref<1x640x16xf32, #tpu.memory_space<hbm>> -> memref<640x16xf32, #tpu.memory_space<hbm>>
      %dma_wait3A_92 = arith.constant 0 : i32
      %dma_wait3A_93 = tpu.memref_slice %arg18[%mul3A_2, %dma_wait3A_92] : memref<10240x16xf32, #tpu.memory_space<vmem_shared>> -> memref<640x16xf32, #tpu.memory_space<vmem_shared>>
      tpu.wait_dma2 semaphore(%run_scoped3A : memref<!tpu.dma_semaphore, #tpu.memory_space<semaphore_mem>>) src(%dma_wait3A_93 : memref<640x16xf32, #tpu.memory_space<vmem_shared>>) dst(%dma_wait3A_91 : memref<640x16xf32, #tpu.memory_space<hbm>>)
      tpu.yield
    }) : () -> ()
    return
  }
}

#map = affine_map<(d0, d1) -> (0, 0)>
#map1 = affine_map<(d0, d1) -> (0, 0, 0)>
module attributes {stable_mosaic.version = 14 : i64} {
  func.func @_sc_agg_body(%arg0: i32, %arg1: i32, %arg2: memref<10240x64xf32, #tpu.memory_space<hbm>>, %arg3: memref<32x128x80xi32, #tpu.memory_space<hbm>>, %arg4: memref<32x128x80xi32, #tpu.memory_space<hbm>>, %arg5: memref<10240x64xf32, #tpu.memory_space<hbm>>, %arg6: memref<2x10240x64xf32, #tpu.memory_space<hbm>>, %arg7: memref<128x80xi32, #tpu.memory_space<vmem>>, %arg8: memref<128x80xi32, #tpu.memory_space<vmem>>, %arg9: memref<80x64xf32, #tpu.memory_space<vmem>>, %arg10: memref<80x64xf32, #tpu.memory_space<vmem>>, %arg11: memref<80x64xf32, #tpu.memory_space<vmem>>, %arg12: memref<80x64xf32, #tpu.memory_space<vmem>>, %arg13: memref<10240x64xf32, #tpu.memory_space<vmem_shared>>, %arg14: memref<!tpu.dma_semaphore, #tpu.memory_space<semaphore_mem>>, %arg15: memref<!tpu.dma_semaphore, #tpu.memory_space<semaphore_mem>>, %arg16: memref<!tpu.dma_semaphore, #tpu.memory_space<semaphore_mem>>, %arg17: memref<!tpu.dma_semaphore, #tpu.memory_space<semaphore_mem>>, %arg18: memref<!tpu.dma_semaphore, #tpu.memory_space<semaphore_mem>>, %arg19: memref<!tpu.dma_semaphore, #tpu.memory_space<semaphore_mem>>, %arg20: memref<!tpu.dma_semaphore, #tpu.memory_space<semaphore_mem>>, %arg21: memref<!tpu.dma_semaphore, #tpu.memory_space<semaphore_mem>>) attributes {dimension_semantics = [#tpu.dimension_semantics<core_parallel>, #tpu.dimension_semantics<subcore_parallel>], iteration_bounds = array<i64: 2, 16>, scalar_prefetch = 0 : i64, scratch_operands = 15 : i64, tpu.core_type = #tpu.core_type<sc_vector_subcore>, window_params = [{transform_indices = #map}, {transform_indices = #map1}, {transform_indices = #map1}, {transform_indices = #map}, {transform_indices = #map1}]} {
    %mul3A = arith.constant 2 : i32
    %mul3A_0 = arith.muli %arg1, %mul3A : i32
    %add3A = arith.addi %mul3A_0, %arg0 : i32
    %mul3A_1 = arith.constant 640 : i32
    %mul3A_2 = arith.muli %arg1, %mul3A_1 : i32
    "tpu.region"() ({
      %run_scoped3A = tpu.sem_alloc : memref<!tpu.dma_semaphore, #tpu.memory_space<semaphore_mem>>
      %dma_start3A_56 = arith.constant 0 : i32
      %dma_start3A_57 = arith.constant 0 : i32
      %dma_start3A_58 = tpu.memref_slice %arg3[%add3A, %dma_start3A_56, %dma_start3A_57] : memref<32x128x80xi32, #tpu.memory_space<hbm>> -> memref<1x128x80xi32, #tpu.memory_space<hbm>>
      %dma_start3A_59 = tpu.memref_squeeze %dma_start3A_58 : memref<1x128x80xi32, #tpu.memory_space<hbm>> -> memref<128x80xi32, #tpu.memory_space<hbm>>
      %dma_start3A_60 = arith.constant 0 : i32
      %dma_start3A_61 = arith.constant 0 : i32
      %dma_start3A_62 = tpu.memref_slice %arg3[%add3A, %dma_start3A_60, %dma_start3A_61] : memref<32x128x80xi32, #tpu.memory_space<hbm>> -> memref<1x128x80xi32, #tpu.memory_space<hbm>>
      %dma_start3A_63 = tpu.memref_squeeze %dma_start3A_62 : memref<1x128x80xi32, #tpu.memory_space<hbm>> -> memref<128x80xi32, #tpu.memory_space<hbm>>
      tpu.enqueue_dma source(%dma_start3A_63 : memref<128x80xi32, #tpu.memory_space<hbm>>) target(%arg7 : memref<128x80xi32, #tpu.memory_space<vmem>>) target_semaphore(%run_scoped3A : memref<!tpu.dma_semaphore, #tpu.memory_space<semaphore_mem>>)
      %dma_wait3A_64 = arith.constant 0 : i32
      %dma_wait3A_65 = arith.constant 0 : i32
      %dma_wait3A_66 = tpu.memref_slice %arg3[%add3A, %dma_wait3A_64, %dma_wait3A_65] : memref<32x128x80xi32, #tpu.memory_space<hbm>> -> memref<1x128x80xi32, #tpu.memory_space<hbm>>
      %dma_wait3A_67 = tpu.memref_squeeze %dma_wait3A_66 : memref<1x128x80xi32, #tpu.memory_space<hbm>> -> memref<128x80xi32, #tpu.memory_space<hbm>>
      %dma_wait3A_68 = arith.constant 0 : i32
      %dma_wait3A_69 = arith.constant 0 : i32
      %dma_wait3A_70 = tpu.memref_slice %arg3[%add3A, %dma_wait3A_68, %dma_wait3A_69] : memref<32x128x80xi32, #tpu.memory_space<hbm>> -> memref<1x128x80xi32, #tpu.memory_space<hbm>>
      %dma_wait3A_71 = tpu.memref_squeeze %dma_wait3A_70 : memref<1x128x80xi32, #tpu.memory_space<hbm>> -> memref<128x80xi32, #tpu.memory_space<hbm>>
      tpu.wait_dma2 semaphore(%run_scoped3A : memref<!tpu.dma_semaphore, #tpu.memory_space<semaphore_mem>>) src(%dma_wait3A_71 : memref<128x80xi32, #tpu.memory_space<hbm>>) dst(%arg7 : memref<128x80xi32, #tpu.memory_space<vmem>>)
      tpu.yield
    }) : () -> ()
    "tpu.region"() ({
      %run_scoped3A = tpu.sem_alloc : memref<!tpu.dma_semaphore, #tpu.memory_space<semaphore_mem>>
      %dma_start3A_56 = arith.constant 0 : i32
      %dma_start3A_57 = arith.constant 0 : i32
      %dma_start3A_58 = tpu.memref_slice %arg4[%add3A, %dma_start3A_56, %dma_start3A_57] : memref<32x128x80xi32, #tpu.memory_space<hbm>> -> memref<1x128x80xi32, #tpu.memory_space<hbm>>
      %dma_start3A_59 = tpu.memref_squeeze %dma_start3A_58 : memref<1x128x80xi32, #tpu.memory_space<hbm>> -> memref<128x80xi32, #tpu.memory_space<hbm>>
      %dma_start3A_60 = arith.constant 0 : i32
      %dma_start3A_61 = arith.constant 0 : i32
      %dma_start3A_62 = tpu.memref_slice %arg4[%add3A, %dma_start3A_60, %dma_start3A_61] : memref<32x128x80xi32, #tpu.memory_space<hbm>> -> memref<1x128x80xi32, #tpu.memory_space<hbm>>
      %dma_start3A_63 = tpu.memref_squeeze %dma_start3A_62 : memref<1x128x80xi32, #tpu.memory_space<hbm>> -> memref<128x80xi32, #tpu.memory_space<hbm>>
      tpu.enqueue_dma source(%dma_start3A_63 : memref<128x80xi32, #tpu.memory_space<hbm>>) target(%arg8 : memref<128x80xi32, #tpu.memory_space<vmem>>) target_semaphore(%run_scoped3A : memref<!tpu.dma_semaphore, #tpu.memory_space<semaphore_mem>>)
      %dma_wait3A_64 = arith.constant 0 : i32
      %dma_wait3A_65 = arith.constant 0 : i32
      %dma_wait3A_66 = tpu.memref_slice %arg4[%add3A, %dma_wait3A_64, %dma_wait3A_65] : memref<32x128x80xi32, #tpu.memory_space<hbm>> -> memref<1x128x80xi32, #tpu.memory_space<hbm>>
      %dma_wait3A_67 = tpu.memref_squeeze %dma_wait3A_66 : memref<1x128x80xi32, #tpu.memory_space<hbm>> -> memref<128x80xi32, #tpu.memory_space<hbm>>
      %dma_wait3A_68 = arith.constant 0 : i32
      %dma_wait3A_69 = arith.constant 0 : i32
      %dma_wait3A_70 = tpu.memref_slice %arg4[%add3A, %dma_wait3A_68, %dma_wait3A_69] : memref<32x128x80xi32, #tpu.memory_space<hbm>> -> memref<1x128x80xi32, #tpu.memory_space<hbm>>
      %dma_wait3A_71 = tpu.memref_squeeze %dma_wait3A_70 : memref<1x128x80xi32, #tpu.memory_space<hbm>> -> memref<128x80xi32, #tpu.memory_space<hbm>>
      tpu.wait_dma2 semaphore(%run_scoped3A : memref<!tpu.dma_semaphore, #tpu.memory_space<semaphore_mem>>) src(%dma_wait3A_71 : memref<128x80xi32, #tpu.memory_space<hbm>>) dst(%arg8 : memref<128x80xi32, #tpu.memory_space<vmem>>)
      tpu.yield
    }) : () -> ()
    "tpu.region"() ({
      %run_scoped3A = tpu.sem_alloc : memref<!tpu.dma_semaphore, #tpu.memory_space<semaphore_mem>>
      %dma_start3A_56 = arith.constant 0 : i32
      %dma_start3A_57 = tpu.memref_slice %arg13[%mul3A_2, %dma_start3A_56] : memref<10240x64xf32, #tpu.memory_space<vmem_shared>> -> memref<640x64xf32, #tpu.memory_space<vmem_shared>>
      %dma_start3A_58 = arith.constant 0 : i32
      %dma_start3A_59 = tpu.memref_slice %arg5[%mul3A_2, %dma_start3A_58] : memref<10240x64xf32, #tpu.memory_space<hbm>> -> memref<640x64xf32, #tpu.memory_space<hbm>>
      tpu.enqueue_dma source(%dma_start3A_59 : memref<640x64xf32, #tpu.memory_space<hbm>>) target(%dma_start3A_57 : memref<640x64xf32, #tpu.memory_space<vmem_shared>>) target_semaphore(%run_scoped3A : memref<!tpu.dma_semaphore, #tpu.memory_space<semaphore_mem>>)
      %dma_wait3A_60 = arith.constant 0 : i32
      %dma_wait3A_61 = tpu.memref_slice %arg13[%mul3A_2, %dma_wait3A_60] : memref<10240x64xf32, #tpu.memory_space<vmem_shared>> -> memref<640x64xf32, #tpu.memory_space<vmem_shared>>
      %dma_wait3A_62 = arith.constant 0 : i32
      %dma_wait3A_63 = tpu.memref_slice %arg5[%mul3A_2, %dma_wait3A_62] : memref<10240x64xf32, #tpu.memory_space<hbm>> -> memref<640x64xf32, #tpu.memory_space<hbm>>
      tpu.wait_dma2 semaphore(%run_scoped3A : memref<!tpu.dma_semaphore, #tpu.memory_space<semaphore_mem>>) src(%dma_wait3A_63 : memref<640x64xf32, #tpu.memory_space<hbm>>) dst(%dma_wait3A_61 : memref<640x64xf32, #tpu.memory_space<vmem_shared>>)
      tpu.yield
    }) : () -> ()
    %barrier3A = arith.constant 0 : index
    tpu.barrier barrier_id(%barrier3A)
    %dma_start3A = arith.constant 0 : i32
    %dma_start3A_3 = arith.constant 0 : i32
    %dma_start3A_4 = tpu.memref_slice %arg7[%dma_start3A, %dma_start3A_3] : memref<128x80xi32, #tpu.memory_space<vmem>> -> memref<1x80xi32, #tpu.memory_space<vmem>>
    %dma_start3A_5 = tpu.memref_squeeze %dma_start3A_4 : memref<1x80xi32, #tpu.memory_space<vmem>> -> memref<80xi32, #tpu.memory_space<vmem>>
    %dma_start3A_6 = arith.constant 0 : i32
    %dma_start3A_7 = arith.constant 0 : i32
    %dma_start3A_8 = tpu.memref_slice %arg2[%dma_start3A_6, %dma_start3A_7] : memref<10240x64xf32, #tpu.memory_space<hbm>> -> memref<10240x64xf32, #tpu.memory_space<hbm>>
    tpu.enqueue_indirect_dma source(%dma_start3A_8 : memref<10240x64xf32, #tpu.memory_space<hbm>>) target(%arg9 : memref<80x64xf32, #tpu.memory_space<vmem>>) offsets(%dma_start3A_5 : memref<80xi32, #tpu.memory_space<vmem>>) semaphore(%arg14 : memref<!tpu.dma_semaphore, #tpu.memory_space<semaphore_mem>>)
    %dma_start3A_9 = arith.constant 1 : i32
    %dma_start3A_10 = arith.constant 0 : i32
    %dma_start3A_11 = tpu.memref_slice %arg7[%dma_start3A_9, %dma_start3A_10] : memref<128x80xi32, #tpu.memory_space<vmem>> -> memref<1x80xi32, #tpu.memory_space<vmem>>
    %dma_start3A_12 = tpu.memref_squeeze %dma_start3A_11 : memref<1x80xi32, #tpu.memory_space<vmem>> -> memref<80xi32, #tpu.memory_space<vmem>>
    %dma_start3A_13 = arith.constant 0 : i32
    %dma_start3A_14 = arith.constant 0 : i32
    %dma_start3A_15 = tpu.memref_slice %arg2[%dma_start3A_13, %dma_start3A_14] : memref<10240x64xf32, #tpu.memory_space<hbm>> -> memref<10240x64xf32, #tpu.memory_space<hbm>>
    tpu.enqueue_indirect_dma source(%dma_start3A_15 : memref<10240x64xf32, #tpu.memory_space<hbm>>) target(%arg10 : memref<80x64xf32, #tpu.memory_space<vmem>>) offsets(%dma_start3A_12 : memref<80xi32, #tpu.memory_space<vmem>>) semaphore(%arg15 : memref<!tpu.dma_semaphore, #tpu.memory_space<semaphore_mem>>)
    %dma_start3A_16 = arith.constant 2 : i32
    %dma_start3A_17 = arith.constant 0 : i32
    %dma_start3A_18 = tpu.memref_slice %arg7[%dma_start3A_16, %dma_start3A_17] : memref<128x80xi32, #tpu.memory_space<vmem>> -> memref<1x80xi32, #tpu.memory_space<vmem>>
    %dma_start3A_19 = tpu.memref_squeeze %dma_start3A_18 : memref<1x80xi32, #tpu.memory_space<vmem>> -> memref<80xi32, #tpu.memory_space<vmem>>
    %dma_start3A_20 = arith.constant 0 : i32
    %dma_start3A_21 = arith.constant 0 : i32
    %dma_start3A_22 = tpu.memref_slice %arg2[%dma_start3A_20, %dma_start3A_21] : memref<10240x64xf32, #tpu.memory_space<hbm>> -> memref<10240x64xf32, #tpu.memory_space<hbm>>
    tpu.enqueue_indirect_dma source(%dma_start3A_22 : memref<10240x64xf32, #tpu.memory_space<hbm>>) target(%arg11 : memref<80x64xf32, #tpu.memory_space<vmem>>) offsets(%dma_start3A_19 : memref<80xi32, #tpu.memory_space<vmem>>) semaphore(%arg16 : memref<!tpu.dma_semaphore, #tpu.memory_space<semaphore_mem>>)
    %scan3A = arith.constant 0 : i32
    %scan3A_23 = arith.constant 0 : i32
    %scan3A_24 = arith.constant 32 : i32
    %scan3A_25 = arith.addi %scan3A_23, %scan3A_24 : i32
    %scan3A_26 = arith.constant 1 : i32
    scf.for %scan3A_56 = %scan3A_23 to %scan3A_25 step %scan3A_26  : i32 {
      %mul3A_57 = arith.constant 4 : i32
      %mul3A_58 = arith.muli %scan3A_56, %mul3A_57 : i32
      %add3A_59 = arith.constant 0 : i32
      %add3A_60 = arith.addi %mul3A_58, %add3A_59 : i32
      %ge3A = arith.constant 1 : i32
      %ge3A_61 = arith.cmpi sge, %add3A_60, %ge3A : i32
      %add3A_62 = arith.constant 3 : i32
      %add3A_63 = arith.addi %add3A_60, %add3A_62 : i32
      %lt3A = arith.constant 128 : i32
      %lt3A_64 = arith.cmpi slt, %add3A_63, %lt3A : i32
      %and3A = arith.andi %ge3A_61, %lt3A_64 : i1
      %convert_element_type3A = arith.extui %and3A : i1 to i32
      %cond3A = arith.constant 0 : i32
      %cond3A_65 = arith.cmpi ne, %convert_element_type3A, %cond3A : i32
      scf.if %cond3A_65 {
        %sub3A = arith.constant 1 : i32
        %sub3A_184 = arith.subi %add3A_60, %sub3A : i32
        %dma_wait3A_185 = arith.constant 0 : i32
        %dma_wait3A_186 = tpu.memref_slice %arg8[%sub3A_184, %dma_wait3A_185] : memref<128x80xi32, #tpu.memory_space<vmem>> -> memref<1x80xi32, #tpu.memory_space<vmem>>
        %dma_wait3A_187 = tpu.memref_squeeze %dma_wait3A_186 : memref<1x80xi32, #tpu.memory_space<vmem>> -> memref<80xi32, #tpu.memory_space<vmem>>
        %dma_wait3A_188 = arith.constant 0 : i32
        %dma_wait3A_189 = arith.constant 0 : i32
        %dma_wait3A_190 = tpu.memref_slice %arg13[%dma_wait3A_188, %dma_wait3A_189] : memref<10240x64xf32, #tpu.memory_space<vmem_shared>> -> memref<10240x64xf32, #tpu.memory_space<vmem_shared>>
        tpu.wait_indirect_dma semaphore(%arg21 : memref<!tpu.dma_semaphore, #tpu.memory_space<semaphore_mem>>) src(%arg12 : memref<80x64xf32, #tpu.memory_space<vmem>>) dst(%dma_wait3A_190 : memref<10240x64xf32, #tpu.memory_space<vmem_shared>>)
      } else {
      }
      %add3A_66 = arith.constant 3 : i32
      %add3A_67 = arith.addi %add3A_60, %add3A_66 : i32
      %lt3A_68 = arith.constant 128 : i32
      %lt3A_69 = arith.cmpi slt, %add3A_67, %lt3A_68 : i32
      %convert_element_type3A_70 = arith.extui %lt3A_69 : i1 to i32
      %cond3A_71 = arith.constant 0 : i32
      %cond3A_72 = arith.cmpi ne, %convert_element_type3A_70, %cond3A_71 : i32
      scf.if %cond3A_72 {
        %add3A_184 = arith.constant 3 : i32
        %add3A_185 = arith.addi %add3A_60, %add3A_184 : i32
        %dma_start3A_186 = arith.constant 0 : i32
        %dma_start3A_187 = tpu.memref_slice %arg7[%add3A_185, %dma_start3A_186] : memref<128x80xi32, #tpu.memory_space<vmem>> -> memref<1x80xi32, #tpu.memory_space<vmem>>
        %dma_start3A_188 = tpu.memref_squeeze %dma_start3A_187 : memref<1x80xi32, #tpu.memory_space<vmem>> -> memref<80xi32, #tpu.memory_space<vmem>>
        %dma_start3A_189 = arith.constant 0 : i32
        %dma_start3A_190 = arith.constant 0 : i32
        %dma_start3A_191 = tpu.memref_slice %arg2[%dma_start3A_189, %dma_start3A_190] : memref<10240x64xf32, #tpu.memory_space<hbm>> -> memref<10240x64xf32, #tpu.memory_space<hbm>>
        tpu.enqueue_indirect_dma source(%dma_start3A_191 : memref<10240x64xf32, #tpu.memory_space<hbm>>) target(%arg12 : memref<80x64xf32, #tpu.memory_space<vmem>>) offsets(%dma_start3A_188 : memref<80xi32, #tpu.memory_space<vmem>>) semaphore(%arg17 : memref<!tpu.dma_semaphore, #tpu.memory_space<semaphore_mem>>)
      } else {
      }
      %dma_wait3A_73 = arith.constant 0 : i32
      %dma_wait3A_74 = tpu.memref_slice %arg7[%add3A_60, %dma_wait3A_73] : memref<128x80xi32, #tpu.memory_space<vmem>> -> memref<1x80xi32, #tpu.memory_space<vmem>>
      %dma_wait3A_75 = tpu.memref_squeeze %dma_wait3A_74 : memref<1x80xi32, #tpu.memory_space<vmem>> -> memref<80xi32, #tpu.memory_space<vmem>>
      %dma_wait3A_76 = arith.constant 0 : i32
      %dma_wait3A_77 = arith.constant 0 : i32
      %dma_wait3A_78 = tpu.memref_slice %arg2[%dma_wait3A_76, %dma_wait3A_77] : memref<10240x64xf32, #tpu.memory_space<hbm>> -> memref<10240x64xf32, #tpu.memory_space<hbm>>
      tpu.wait_indirect_dma semaphore(%arg14 : memref<!tpu.dma_semaphore, #tpu.memory_space<semaphore_mem>>) src(%dma_wait3A_78 : memref<10240x64xf32, #tpu.memory_space<hbm>>) dst(%arg9 : memref<80x64xf32, #tpu.memory_space<vmem>>)
      %dma_start3A_79 = arith.constant 0 : i32
      %dma_start3A_80 = tpu.memref_slice %arg8[%add3A_60, %dma_start3A_79] : memref<128x80xi32, #tpu.memory_space<vmem>> -> memref<1x80xi32, #tpu.memory_space<vmem>>
      %dma_start3A_81 = tpu.memref_squeeze %dma_start3A_80 : memref<1x80xi32, #tpu.memory_space<vmem>> -> memref<80xi32, #tpu.memory_space<vmem>>
      %dma_start3A_82 = arith.constant 0 : i32
      %dma_start3A_83 = arith.constant 0 : i32
      %dma_start3A_84 = tpu.memref_slice %arg13[%dma_start3A_82, %dma_start3A_83] : memref<10240x64xf32, #tpu.memory_space<vmem_shared>> -> memref<10240x64xf32, #tpu.memory_space<vmem_shared>>
      tpu.enqueue_indirect_dma source(%arg9 : memref<80x64xf32, #tpu.memory_space<vmem>>) target(%dma_start3A_84 : memref<10240x64xf32, #tpu.memory_space<vmem_shared>>) offsets(%dma_start3A_81 : memref<80xi32, #tpu.memory_space<vmem>>) semaphore(%arg18 : memref<!tpu.dma_semaphore, #tpu.memory_space<semaphore_mem>>) {add = true}
      %mul3A_85 = arith.constant 4 : i32
      %mul3A_86 = arith.muli %scan3A_56, %mul3A_85 : i32
      %add3A_87 = arith.constant 1 : i32
      %add3A_88 = arith.addi %mul3A_86, %add3A_87 : i32
      %ge3A_89 = arith.constant 1 : i32
      %ge3A_90 = arith.cmpi sge, %add3A_88, %ge3A_89 : i32
      %add3A_91 = arith.constant 3 : i32
      %add3A_92 = arith.addi %add3A_88, %add3A_91 : i32
      %lt3A_93 = arith.constant 128 : i32
      %lt3A_94 = arith.cmpi slt, %add3A_92, %lt3A_93 : i32
      %and3A_95 = arith.andi %ge3A_90, %lt3A_94 : i1
      %convert_element_type3A_96 = arith.extui %and3A_95 : i1 to i32
      %cond3A_97 = arith.constant 0 : i32
      %cond3A_98 = arith.cmpi ne, %convert_element_type3A_96, %cond3A_97 : i32
      scf.if %cond3A_98 {
        %sub3A = arith.constant 1 : i32
        %sub3A_184 = arith.subi %add3A_88, %sub3A : i32
        %dma_wait3A_185 = arith.constant 0 : i32
        %dma_wait3A_186 = tpu.memref_slice %arg8[%sub3A_184, %dma_wait3A_185] : memref<128x80xi32, #tpu.memory_space<vmem>> -> memref<1x80xi32, #tpu.memory_space<vmem>>
        %dma_wait3A_187 = tpu.memref_squeeze %dma_wait3A_186 : memref<1x80xi32, #tpu.memory_space<vmem>> -> memref<80xi32, #tpu.memory_space<vmem>>
        %dma_wait3A_188 = arith.constant 0 : i32
        %dma_wait3A_189 = arith.constant 0 : i32
        %dma_wait3A_190 = tpu.memref_slice %arg13[%dma_wait3A_188, %dma_wait3A_189] : memref<10240x64xf32, #tpu.memory_space<vmem_shared>> -> memref<10240x64xf32, #tpu.memory_space<vmem_shared>>
        tpu.wait_indirect_dma semaphore(%arg18 : memref<!tpu.dma_semaphore, #tpu.memory_space<semaphore_mem>>) src(%arg9 : memref<80x64xf32, #tpu.memory_space<vmem>>) dst(%dma_wait3A_190 : memref<10240x64xf32, #tpu.memory_space<vmem_shared>>)
      } else {
      }
      %add3A_99 = arith.constant 3 : i32
      %add3A_100 = arith.addi %add3A_88, %add3A_99 : i32
      %lt3A_101 = arith.constant 128 : i32
      %lt3A_102 = arith.cmpi slt, %add3A_100, %lt3A_101 : i32
      %convert_element_type3A_103 = arith.extui %lt3A_102 : i1 to i32
      %cond3A_104 = arith.constant 0 : i32
      %cond3A_105 = arith.cmpi ne, %convert_element_type3A_103, %cond3A_104 : i32
      scf.if %cond3A_105 {
        %add3A_184 = arith.constant 3 : i32
        %add3A_185 = arith.addi %add3A_88, %add3A_184 : i32
        %dma_start3A_186 = arith.constant 0 : i32
        %dma_start3A_187 = tpu.memref_slice %arg7[%add3A_185, %dma_start3A_186] : memref<128x80xi32, #tpu.memory_space<vmem>> -> memref<1x80xi32, #tpu.memory_space<vmem>>
        %dma_start3A_188 = tpu.memref_squeeze %dma_start3A_187 : memref<1x80xi32, #tpu.memory_space<vmem>> -> memref<80xi32, #tpu.memory_space<vmem>>
        %dma_start3A_189 = arith.constant 0 : i32
        %dma_start3A_190 = arith.constant 0 : i32
        %dma_start3A_191 = tpu.memref_slice %arg2[%dma_start3A_189, %dma_start3A_190] : memref<10240x64xf32, #tpu.memory_space<hbm>> -> memref<10240x64xf32, #tpu.memory_space<hbm>>
        tpu.enqueue_indirect_dma source(%dma_start3A_191 : memref<10240x64xf32, #tpu.memory_space<hbm>>) target(%arg9 : memref<80x64xf32, #tpu.memory_space<vmem>>) offsets(%dma_start3A_188 : memref<80xi32, #tpu.memory_space<vmem>>) semaphore(%arg14 : memref<!tpu.dma_semaphore, #tpu.memory_space<semaphore_mem>>)
      } else {
      }
      %dma_wait3A_106 = arith.constant 0 : i32
      %dma_wait3A_107 = tpu.memref_slice %arg7[%add3A_88, %dma_wait3A_106] : memref<128x80xi32, #tpu.memory_space<vmem>> -> memref<1x80xi32, #tpu.memory_space<vmem>>
      %dma_wait3A_108 = tpu.memref_squeeze %dma_wait3A_107 : memref<1x80xi32, #tpu.memory_space<vmem>> -> memref<80xi32, #tpu.memory_space<vmem>>
      %dma_wait3A_109 = arith.constant 0 : i32
      %dma_wait3A_110 = arith.constant 0 : i32
      %dma_wait3A_111 = tpu.memref_slice %arg2[%dma_wait3A_109, %dma_wait3A_110] : memref<10240x64xf32, #tpu.memory_space<hbm>> -> memref<10240x64xf32, #tpu.memory_space<hbm>>
      tpu.wait_indirect_dma semaphore(%arg15 : memref<!tpu.dma_semaphore, #tpu.memory_space<semaphore_mem>>) src(%dma_wait3A_111 : memref<10240x64xf32, #tpu.memory_space<hbm>>) dst(%arg10 : memref<80x64xf32, #tpu.memory_space<vmem>>)
      %dma_start3A_112 = arith.constant 0 : i32
      %dma_start3A_113 = tpu.memref_slice %arg8[%add3A_88, %dma_start3A_112] : memref<128x80xi32, #tpu.memory_space<vmem>> -> memref<1x80xi32, #tpu.memory_space<vmem>>
      %dma_start3A_114 = tpu.memref_squeeze %dma_start3A_113 : memref<1x80xi32, #tpu.memory_space<vmem>> -> memref<80xi32, #tpu.memory_space<vmem>>
      %dma_start3A_115 = arith.constant 0 : i32
      %dma_start3A_116 = arith.constant 0 : i32
      %dma_start3A_117 = tpu.memref_slice %arg13[%dma_start3A_115, %dma_start3A_116] : memref<10240x64xf32, #tpu.memory_space<vmem_shared>> -> memref<10240x64xf32, #tpu.memory_space<vmem_shared>>
      tpu.enqueue_indirect_dma source(%arg10 : memref<80x64xf32, #tpu.memory_space<vmem>>) target(%dma_start3A_117 : memref<10240x64xf32, #tpu.memory_space<vmem_shared>>) offsets(%dma_start3A_114 : memref<80xi32, #tpu.memory_space<vmem>>) semaphore(%arg19 : memref<!tpu.dma_semaphore, #tpu.memory_space<semaphore_mem>>) {add = true}
      %mul3A_118 = arith.constant 4 : i32
      %mul3A_119 = arith.muli %scan3A_56, %mul3A_118 : i32
      %add3A_120 = arith.constant 2 : i32
      %add3A_121 = arith.addi %mul3A_119, %add3A_120 : i32
      %ge3A_122 = arith.constant 1 : i32
      %ge3A_123 = arith.cmpi sge, %add3A_121, %ge3A_122 : i32
      %add3A_124 = arith.constant 3 : i32
      %add3A_125 = arith.addi %add3A_121, %add3A_124 : i32
      %lt3A_126 = arith.constant 128 : i32
      %lt3A_127 = arith.cmpi slt, %add3A_125, %lt3A_126 : i32
      %and3A_128 = arith.andi %ge3A_123, %lt3A_127 : i1
      %convert_element_type3A_129 = arith.extui %and3A_128 : i1 to i32
      %cond3A_130 = arith.constant 0 : i32
      %cond3A_131 = arith.cmpi ne, %convert_element_type3A_129, %cond3A_130 : i32
      scf.if %cond3A_131 {
        %sub3A = arith.constant 1 : i32
        %sub3A_184 = arith.subi %add3A_121, %sub3A : i32
        %dma_wait3A_185 = arith.constant 0 : i32
        %dma_wait3A_186 = tpu.memref_slice %arg8[%sub3A_184, %dma_wait3A_185] : memref<128x80xi32, #tpu.memory_space<vmem>> -> memref<1x80xi32, #tpu.memory_space<vmem>>
        %dma_wait3A_187 = tpu.memref_squeeze %dma_wait3A_186 : memref<1x80xi32, #tpu.memory_space<vmem>> -> memref<80xi32, #tpu.memory_space<vmem>>
        %dma_wait3A_188 = arith.constant 0 : i32
        %dma_wait3A_189 = arith.constant 0 : i32
        %dma_wait3A_190 = tpu.memref_slice %arg13[%dma_wait3A_188, %dma_wait3A_189] : memref<10240x64xf32, #tpu.memory_space<vmem_shared>> -> memref<10240x64xf32, #tpu.memory_space<vmem_shared>>
        tpu.wait_indirect_dma semaphore(%arg19 : memref<!tpu.dma_semaphore, #tpu.memory_space<semaphore_mem>>) src(%arg10 : memref<80x64xf32, #tpu.memory_space<vmem>>) dst(%dma_wait3A_190 : memref<10240x64xf32, #tpu.memory_space<vmem_shared>>)
      } else {
      }
      %add3A_132 = arith.constant 3 : i32
      %add3A_133 = arith.addi %add3A_121, %add3A_132 : i32
      %lt3A_134 = arith.constant 128 : i32
      %lt3A_135 = arith.cmpi slt, %add3A_133, %lt3A_134 : i32
      %convert_element_type3A_136 = arith.extui %lt3A_135 : i1 to i32
      %cond3A_137 = arith.constant 0 : i32
      %cond3A_138 = arith.cmpi ne, %convert_element_type3A_136, %cond3A_137 : i32
      scf.if %cond3A_138 {
        %add3A_184 = arith.constant 3 : i32
        %add3A_185 = arith.addi %add3A_121, %add3A_184 : i32
        %dma_start3A_186 = arith.constant 0 : i32
        %dma_start3A_187 = tpu.memref_slice %arg7[%add3A_185, %dma_start3A_186] : memref<128x80xi32, #tpu.memory_space<vmem>> -> memref<1x80xi32, #tpu.memory_space<vmem>>
        %dma_start3A_188 = tpu.memref_squeeze %dma_start3A_187 : memref<1x80xi32, #tpu.memory_space<vmem>> -> memref<80xi32, #tpu.memory_space<vmem>>
        %dma_start3A_189 = arith.constant 0 : i32
        %dma_start3A_190 = arith.constant 0 : i32
        %dma_start3A_191 = tpu.memref_slice %arg2[%dma_start3A_189, %dma_start3A_190] : memref<10240x64xf32, #tpu.memory_space<hbm>> -> memref<10240x64xf32, #tpu.memory_space<hbm>>
        tpu.enqueue_indirect_dma source(%dma_start3A_191 : memref<10240x64xf32, #tpu.memory_space<hbm>>) target(%arg10 : memref<80x64xf32, #tpu.memory_space<vmem>>) offsets(%dma_start3A_188 : memref<80xi32, #tpu.memory_space<vmem>>) semaphore(%arg15 : memref<!tpu.dma_semaphore, #tpu.memory_space<semaphore_mem>>)
      } else {
      }
      %dma_wait3A_139 = arith.constant 0 : i32
      %dma_wait3A_140 = tpu.memref_slice %arg7[%add3A_121, %dma_wait3A_139] : memref<128x80xi32, #tpu.memory_space<vmem>> -> memref<1x80xi32, #tpu.memory_space<vmem>>
      %dma_wait3A_141 = tpu.memref_squeeze %dma_wait3A_140 : memref<1x80xi32, #tpu.memory_space<vmem>> -> memref<80xi32, #tpu.memory_space<vmem>>
      %dma_wait3A_142 = arith.constant 0 : i32
      %dma_wait3A_143 = arith.constant 0 : i32
      %dma_wait3A_144 = tpu.memref_slice %arg2[%dma_wait3A_142, %dma_wait3A_143] : memref<10240x64xf32, #tpu.memory_space<hbm>> -> memref<10240x64xf32, #tpu.memory_space<hbm>>
      tpu.wait_indirect_dma semaphore(%arg16 : memref<!tpu.dma_semaphore, #tpu.memory_space<semaphore_mem>>) src(%dma_wait3A_144 : memref<10240x64xf32, #tpu.memory_space<hbm>>) dst(%arg11 : memref<80x64xf32, #tpu.memory_space<vmem>>)
      %dma_start3A_145 = arith.constant 0 : i32
      %dma_start3A_146 = tpu.memref_slice %arg8[%add3A_121, %dma_start3A_145] : memref<128x80xi32, #tpu.memory_space<vmem>> -> memref<1x80xi32, #tpu.memory_space<vmem>>
      %dma_start3A_147 = tpu.memref_squeeze %dma_start3A_146 : memref<1x80xi32, #tpu.memory_space<vmem>> -> memref<80xi32, #tpu.memory_space<vmem>>
      %dma_start3A_148 = arith.constant 0 : i32
      %dma_start3A_149 = arith.constant 0 : i32
      %dma_start3A_150 = tpu.memref_slice %arg13[%dma_start3A_148, %dma_start3A_149] : memref<10240x64xf32, #tpu.memory_space<vmem_shared>> -> memref<10240x64xf32, #tpu.memory_space<vmem_shared>>
      tpu.enqueue_indirect_dma source(%arg11 : memref<80x64xf32, #tpu.memory_space<vmem>>) target(%dma_start3A_150 : memref<10240x64xf32, #tpu.memory_space<vmem_shared>>) offsets(%dma_start3A_147 : memref<80xi32, #tpu.memory_space<vmem>>) semaphore(%arg20 : memref<!tpu.dma_semaphore, #tpu.memory_space<semaphore_mem>>) {add = true}
      %mul3A_151 = arith.constant 4 : i32
      %mul3A_152 = arith.muli %scan3A_56, %mul3A_151 : i32
      %add3A_153 = arith.constant 3 : i32
      %add3A_154 = arith.addi %mul3A_152, %add3A_153 : i32
      %ge3A_155 = arith.constant 1 : i32
      %ge3A_156 = arith.cmpi sge, %add3A_154, %ge3A_155 : i32
      %add3A_157 = arith.constant 3 : i32
      %add3A_158 = arith.addi %add3A_154, %add3A_157 : i32
      %lt3A_159 = arith.constant 128 : i32
      %lt3A_160 = arith.cmpi slt, %add3A_158, %lt3A_159 : i32
      %and3A_161 = arith.andi %ge3A_156, %lt3A_160 : i1
      %convert_element_type3A_162 = arith.extui %and3A_161 : i1 to i32
      %cond3A_163 = arith.constant 0 : i32
      %cond3A_164 = arith.cmpi ne, %convert_element_type3A_162, %cond3A_163 : i32
      scf.if %cond3A_164 {
        %sub3A = arith.constant 1 : i32
        %sub3A_184 = arith.subi %add3A_154, %sub3A : i32
        %dma_wait3A_185 = arith.constant 0 : i32
        %dma_wait3A_186 = tpu.memref_slice %arg8[%sub3A_184, %dma_wait3A_185] : memref<128x80xi32, #tpu.memory_space<vmem>> -> memref<1x80xi32, #tpu.memory_space<vmem>>
        %dma_wait3A_187 = tpu.memref_squeeze %dma_wait3A_186 : memref<1x80xi32, #tpu.memory_space<vmem>> -> memref<80xi32, #tpu.memory_space<vmem>>
        %dma_wait3A_188 = arith.constant 0 : i32
        %dma_wait3A_189 = arith.constant 0 : i32
        %dma_wait3A_190 = tpu.memref_slice %arg13[%dma_wait3A_188, %dma_wait3A_189] : memref<10240x64xf32, #tpu.memory_space<vmem_shared>> -> memref<10240x64xf32, #tpu.memory_space<vmem_shared>>
        tpu.wait_indirect_dma semaphore(%arg20 : memref<!tpu.dma_semaphore, #tpu.memory_space<semaphore_mem>>) src(%arg11 : memref<80x64xf32, #tpu.memory_space<vmem>>) dst(%dma_wait3A_190 : memref<10240x64xf32, #tpu.memory_space<vmem_shared>>)
      } else {
      }
      %add3A_165 = arith.constant 3 : i32
      %add3A_166 = arith.addi %add3A_154, %add3A_165 : i32
      %lt3A_167 = arith.constant 128 : i32
      %lt3A_168 = arith.cmpi slt, %add3A_166, %lt3A_167 : i32
      %convert_element_type3A_169 = arith.extui %lt3A_168 : i1 to i32
      %cond3A_170 = arith.constant 0 : i32
      %cond3A_171 = arith.cmpi ne, %convert_element_type3A_169, %cond3A_170 : i32
      scf.if %cond3A_171 {
        %add3A_184 = arith.constant 3 : i32
        %add3A_185 = arith.addi %add3A_154, %add3A_184 : i32
        %dma_start3A_186 = arith.constant 0 : i32
        %dma_start3A_187 = tpu.memref_slice %arg7[%add3A_185, %dma_start3A_186] : memref<128x80xi32, #tpu.memory_space<vmem>> -> memref<1x80xi32, #tpu.memory_space<vmem>>
        %dma_start3A_188 = tpu.memref_squeeze %dma_start3A_187 : memref<1x80xi32, #tpu.memory_space<vmem>> -> memref<80xi32, #tpu.memory_space<vmem>>
        %dma_start3A_189 = arith.constant 0 : i32
        %dma_start3A_190 = arith.constant 0 : i32
        %dma_start3A_191 = tpu.memref_slice %arg2[%dma_start3A_189, %dma_start3A_190] : memref<10240x64xf32, #tpu.memory_space<hbm>> -> memref<10240x64xf32, #tpu.memory_space<hbm>>
        tpu.enqueue_indirect_dma source(%dma_start3A_191 : memref<10240x64xf32, #tpu.memory_space<hbm>>) target(%arg11 : memref<80x64xf32, #tpu.memory_space<vmem>>) offsets(%dma_start3A_188 : memref<80xi32, #tpu.memory_space<vmem>>) semaphore(%arg16 : memref<!tpu.dma_semaphore, #tpu.memory_space<semaphore_mem>>)
      } else {
      }
      %dma_wait3A_172 = arith.constant 0 : i32
      %dma_wait3A_173 = tpu.memref_slice %arg7[%add3A_154, %dma_wait3A_172] : memref<128x80xi32, #tpu.memory_space<vmem>> -> memref<1x80xi32, #tpu.memory_space<vmem>>
      %dma_wait3A_174 = tpu.memref_squeeze %dma_wait3A_173 : memref<1x80xi32, #tpu.memory_space<vmem>> -> memref<80xi32, #tpu.memory_space<vmem>>
      %dma_wait3A_175 = arith.constant 0 : i32
      %dma_wait3A_176 = arith.constant 0 : i32
      %dma_wait3A_177 = tpu.memref_slice %arg2[%dma_wait3A_175, %dma_wait3A_176] : memref<10240x64xf32, #tpu.memory_space<hbm>> -> memref<10240x64xf32, #tpu.memory_space<hbm>>
      tpu.wait_indirect_dma semaphore(%arg17 : memref<!tpu.dma_semaphore, #tpu.memory_space<semaphore_mem>>) src(%dma_wait3A_177 : memref<10240x64xf32, #tpu.memory_space<hbm>>) dst(%arg12 : memref<80x64xf32, #tpu.memory_space<vmem>>)
      %dma_start3A_178 = arith.constant 0 : i32
      %dma_start3A_179 = tpu.memref_slice %arg8[%add3A_154, %dma_start3A_178] : memref<128x80xi32, #tpu.memory_space<vmem>> -> memref<1x80xi32, #tpu.memory_space<vmem>>
      %dma_start3A_180 = tpu.memref_squeeze %dma_start3A_179 : memref<1x80xi32, #tpu.memory_space<vmem>> -> memref<80xi32, #tpu.memory_space<vmem>>
      %dma_start3A_181 = arith.constant 0 : i32
      %dma_start3A_182 = arith.constant 0 : i32
      %dma_start3A_183 = tpu.memref_slice %arg13[%dma_start3A_181, %dma_start3A_182] : memref<10240x64xf32, #tpu.memory_space<vmem_shared>> -> memref<10240x64xf32, #tpu.memory_space<vmem_shared>>
      tpu.enqueue_indirect_dma source(%arg12 : memref<80x64xf32, #tpu.memory_space<vmem>>) target(%dma_start3A_183 : memref<10240x64xf32, #tpu.memory_space<vmem_shared>>) offsets(%dma_start3A_180 : memref<80xi32, #tpu.memory_space<vmem>>) semaphore(%arg21 : memref<!tpu.dma_semaphore, #tpu.memory_space<semaphore_mem>>) {add = true}
    }
    %scan3A_27 = arith.constant 32 : i32
    %dma_wait3A = arith.constant 124 : i32
    %dma_wait3A_28 = arith.constant 0 : i32
    %dma_wait3A_29 = tpu.memref_slice %arg8[%dma_wait3A, %dma_wait3A_28] : memref<128x80xi32, #tpu.memory_space<vmem>> -> memref<1x80xi32, #tpu.memory_space<vmem>>
    %dma_wait3A_30 = tpu.memref_squeeze %dma_wait3A_29 : memref<1x80xi32, #tpu.memory_space<vmem>> -> memref<80xi32, #tpu.memory_space<vmem>>
    %dma_wait3A_31 = arith.constant 0 : i32
    %dma_wait3A_32 = arith.constant 0 : i32
    %dma_wait3A_33 = tpu.memref_slice %arg13[%dma_wait3A_31, %dma_wait3A_32] : memref<10240x64xf32, #tpu.memory_space<vmem_shared>> -> memref<10240x64xf32, #tpu.memory_space<vmem_shared>>
    tpu.wait_indirect_dma semaphore(%arg18 : memref<!tpu.dma_semaphore, #tpu.memory_space<semaphore_mem>>) src(%arg9 : memref<80x64xf32, #tpu.memory_space<vmem>>) dst(%dma_wait3A_33 : memref<10240x64xf32, #tpu.memory_space<vmem_shared>>)
    %dma_wait3A_34 = arith.constant 125 : i32
    %dma_wait3A_35 = arith.constant 0 : i32
    %dma_wait3A_36 = tpu.memref_slice %arg8[%dma_wait3A_34, %dma_wait3A_35] : memref<128x80xi32, #tpu.memory_space<vmem>> -> memref<1x80xi32, #tpu.memory_space<vmem>>
    %dma_wait3A_37 = tpu.memref_squeeze %dma_wait3A_36 : memref<1x80xi32, #tpu.memory_space<vmem>> -> memref<80xi32, #tpu.memory_space<vmem>>
    %dma_wait3A_38 = arith.constant 0 : i32
    %dma_wait3A_39 = arith.constant 0 : i32
    %dma_wait3A_40 = tpu.memref_slice %arg13[%dma_wait3A_38, %dma_wait3A_39] : memref<10240x64xf32, #tpu.memory_space<vmem_shared>> -> memref<10240x64xf32, #tpu.memory_space<vmem_shared>>
    tpu.wait_indirect_dma semaphore(%arg19 : memref<!tpu.dma_semaphore, #tpu.memory_space<semaphore_mem>>) src(%arg10 : memref<80x64xf32, #tpu.memory_space<vmem>>) dst(%dma_wait3A_40 : memref<10240x64xf32, #tpu.memory_space<vmem_shared>>)
    %dma_wait3A_41 = arith.constant 126 : i32
    %dma_wait3A_42 = arith.constant 0 : i32
    %dma_wait3A_43 = tpu.memref_slice %arg8[%dma_wait3A_41, %dma_wait3A_42] : memref<128x80xi32, #tpu.memory_space<vmem>> -> memref<1x80xi32, #tpu.memory_space<vmem>>
    %dma_wait3A_44 = tpu.memref_squeeze %dma_wait3A_43 : memref<1x80xi32, #tpu.memory_space<vmem>> -> memref<80xi32, #tpu.memory_space<vmem>>
    %dma_wait3A_45 = arith.constant 0 : i32
    %dma_wait3A_46 = arith.constant 0 : i32
    %dma_wait3A_47 = tpu.memref_slice %arg13[%dma_wait3A_45, %dma_wait3A_46] : memref<10240x64xf32, #tpu.memory_space<vmem_shared>> -> memref<10240x64xf32, #tpu.memory_space<vmem_shared>>
    tpu.wait_indirect_dma semaphore(%arg20 : memref<!tpu.dma_semaphore, #tpu.memory_space<semaphore_mem>>) src(%arg11 : memref<80x64xf32, #tpu.memory_space<vmem>>) dst(%dma_wait3A_47 : memref<10240x64xf32, #tpu.memory_space<vmem_shared>>)
    %dma_wait3A_48 = arith.constant 127 : i32
    %dma_wait3A_49 = arith.constant 0 : i32
    %dma_wait3A_50 = tpu.memref_slice %arg8[%dma_wait3A_48, %dma_wait3A_49] : memref<128x80xi32, #tpu.memory_space<vmem>> -> memref<1x80xi32, #tpu.memory_space<vmem>>
    %dma_wait3A_51 = tpu.memref_squeeze %dma_wait3A_50 : memref<1x80xi32, #tpu.memory_space<vmem>> -> memref<80xi32, #tpu.memory_space<vmem>>
    %dma_wait3A_52 = arith.constant 0 : i32
    %dma_wait3A_53 = arith.constant 0 : i32
    %dma_wait3A_54 = tpu.memref_slice %arg13[%dma_wait3A_52, %dma_wait3A_53] : memref<10240x64xf32, #tpu.memory_space<vmem_shared>> -> memref<10240x64xf32, #tpu.memory_space<vmem_shared>>
    tpu.wait_indirect_dma semaphore(%arg21 : memref<!tpu.dma_semaphore, #tpu.memory_space<semaphore_mem>>) src(%arg12 : memref<80x64xf32, #tpu.memory_space<vmem>>) dst(%dma_wait3A_54 : memref<10240x64xf32, #tpu.memory_space<vmem_shared>>)
    %barrier3A_55 = arith.constant 0 : index
    tpu.barrier barrier_id(%barrier3A_55)
    "tpu.region"() ({
      %run_scoped3A = tpu.sem_alloc : memref<!tpu.dma_semaphore, #tpu.memory_space<semaphore_mem>>
      %dma_start3A_56 = arith.constant 0 : i32
      %dma_start3A_57 = tpu.memref_slice %arg6[%arg0, %mul3A_2, %dma_start3A_56] : memref<2x10240x64xf32, #tpu.memory_space<hbm>> -> memref<1x640x64xf32, #tpu.memory_space<hbm>>
      %dma_start3A_58 = tpu.memref_squeeze %dma_start3A_57 : memref<1x640x64xf32, #tpu.memory_space<hbm>> -> memref<640x64xf32, #tpu.memory_space<hbm>>
      %dma_start3A_59 = arith.constant 0 : i32
      %dma_start3A_60 = tpu.memref_slice %arg13[%mul3A_2, %dma_start3A_59] : memref<10240x64xf32, #tpu.memory_space<vmem_shared>> -> memref<640x64xf32, #tpu.memory_space<vmem_shared>>
      tpu.enqueue_dma source(%dma_start3A_60 : memref<640x64xf32, #tpu.memory_space<vmem_shared>>) target(%dma_start3A_58 : memref<640x64xf32, #tpu.memory_space<hbm>>) target_semaphore(%run_scoped3A : memref<!tpu.dma_semaphore, #tpu.memory_space<semaphore_mem>>)
      %dma_wait3A_61 = arith.constant 0 : i32
      %dma_wait3A_62 = tpu.memref_slice %arg6[%arg0, %mul3A_2, %dma_wait3A_61] : memref<2x10240x64xf32, #tpu.memory_space<hbm>> -> memref<1x640x64xf32, #tpu.memory_space<hbm>>
      %dma_wait3A_63 = tpu.memref_squeeze %dma_wait3A_62 : memref<1x640x64xf32, #tpu.memory_space<hbm>> -> memref<640x64xf32, #tpu.memory_space<hbm>>
      %dma_wait3A_64 = arith.constant 0 : i32
      %dma_wait3A_65 = tpu.memref_slice %arg13[%mul3A_2, %dma_wait3A_64] : memref<10240x64xf32, #tpu.memory_space<vmem_shared>> -> memref<640x64xf32, #tpu.memory_space<vmem_shared>>
      tpu.wait_dma2 semaphore(%run_scoped3A : memref<!tpu.dma_semaphore, #tpu.memory_space<semaphore_mem>>) src(%dma_wait3A_65 : memref<640x64xf32, #tpu.memory_space<vmem_shared>>) dst(%dma_wait3A_63 : memref<640x64xf32, #tpu.memory_space<hbm>>)
      tpu.yield
    }) : () -> ()
    return
  }
}

module attributes {stable_mosaic.version = 14 : i64} {
  func.func @_k1_body(%arg0: i32, %arg1: memref<1000x128xf32, #tpu.memory_space<vmem>>, %arg2: memref<128x64xf32, #tpu.memory_space<vmem>>, %arg3: memref<128x64xf32, #tpu.memory_space<vmem>>, %arg4: memref<1000x64xf32, #tpu.memory_space<vmem>>, %arg5: memref<1000x64xf32, #tpu.memory_space<vmem>>) attributes {dimension_semantics = [#tpu.dimension_semantics<arbitrary>], iteration_bounds = array<i64: 10>, scalar_prefetch = 0 : i64, scratch_operands = 0 : i64, tpu.core_type = #tpu.core_type<tc>, window_params = [{transform_indices = @transform_0, window_bounds = array<i64: 1000, 128>}, {pipeline_mode = #tpu.pipeline_mode<synchronous>, transform_indices = @transform_1, window_bounds = array<i64: 128, 64>}, {pipeline_mode = #tpu.pipeline_mode<synchronous>, transform_indices = @transform_2, window_bounds = array<i64: 128, 64>}, {transform_indices = @transform_3, window_bounds = array<i64: 1000, 64>}, {transform_indices = @transform_4, window_bounds = array<i64: 1000, 64>}]} {
    %get3A = arith.constant 0 : index
    %get3A_0 = arith.constant 0 : index
    %get3A_1 = vector.load %arg1[%get3A, %get3A_0] : memref<1000x128xf32, #tpu.memory_space<vmem>>, vector<1000x128xf32>
    %get3A_2 = arith.constant 0 : index
    %get3A_3 = arith.constant 0 : index
    %get3A_4 = vector.load %arg2[%get3A_2, %get3A_3] : memref<128x64xf32, #tpu.memory_space<vmem>>, vector<128x64xf32>
    %dot_general3A = arith.constant dense<0.000000e+00> : vector<1000x64xf32>
    %dot_general3A_5 = tpu.matmul %get3A_1, %get3A_4, %dot_general3A {dimension_numbers = #tpu.dot_dimension_numbers<[1], [0], [0], [1], [0, 0, 1, 1], [], []>, transpose_lhs_hint = false} : vector<1000x128xf32>, vector<128x64xf32>, vector<1000x64xf32> -> vector<1000x64xf32>
    %swap3A = arith.constant 0 : index
    %swap3A_6 = arith.constant 0 : index
    %swap3A_7 = vector.load %arg4[%swap3A, %swap3A_6] : memref<1000x64xf32, #tpu.memory_space<vmem>>, vector<1000x64xf32>
    tpu.vector_store %arg4[%swap3A, %swap3A_6], %dot_general3A_5 {strides = array<i32>} : memref<1000x64xf32, #tpu.memory_space<vmem>>, vector<1000x64xf32>,
    %get3A_8 = arith.constant 0 : index
    %get3A_9 = arith.constant 0 : index
    %get3A_10 = vector.load %arg3[%get3A_8, %get3A_9] : memref<128x64xf32, #tpu.memory_space<vmem>>, vector<128x64xf32>
    %dot_general3A_11 = arith.constant dense<0.000000e+00> : vector<1000x64xf32>
    %dot_general3A_12 = tpu.matmul %get3A_1, %get3A_10, %dot_general3A_11 {dimension_numbers = #tpu.dot_dimension_numbers<[1], [0], [0], [1], [0, 0, 1, 1], [], []>, transpose_lhs_hint = false} : vector<1000x128xf32>, vector<128x64xf32>, vector<1000x64xf32> -> vector<1000x64xf32>
    %swap3A_13 = arith.constant 0 : index
    %swap3A_14 = arith.constant 0 : index
    %swap3A_15 = vector.load %arg5[%swap3A_13, %swap3A_14] : memref<1000x64xf32, #tpu.memory_space<vmem>>, vector<1000x64xf32>
    tpu.vector_store %arg5[%swap3A_13, %swap3A_14], %dot_general3A_12 {strides = array<i32>} : memref<1000x64xf32, #tpu.memory_space<vmem>>, vector<1000x64xf32>,
    return
  }
  func.func @transform_0(%arg0: i32) -> (i32, i32) {
    %c0_i32 = arith.constant 0 : i32
    %c0_i32_0 = arith.constant 0 : i32
    return %arg0, %c0_i32 : i32, i32
  }
  func.func @transform_1(%arg0: i32) -> (i32, i32) {
    %c0_i32 = arith.constant 0 : i32
    %c0_i32_0 = arith.constant 0 : i32
    %c0_i32_1 = arith.constant 0 : i32
    return %c0_i32, %c0_i32_0 : i32, i32
  }
  func.func @transform_2(%arg0: i32) -> (i32, i32) {
    %c0_i32 = arith.constant 0 : i32
    %c0_i32_0 = arith.constant 0 : i32
    %c0_i32_1 = arith.constant 0 : i32
    return %c0_i32, %c0_i32_0 : i32, i32
  }
  func.func @transform_3(%arg0: i32) -> (i32, i32) {
    %c0_i32 = arith.constant 0 : i32
    %c0_i32_0 = arith.constant 0 : i32
    return %arg0, %c0_i32 : i32, i32
  }
  func.func @transform_4(%arg0: i32) -> (i32, i32) {
    %c0_i32 = arith.constant 0 : i32
    %c0_i32_0 = arith.constant 0 : i32
    return %arg0, %c0_i32 : i32, i32
  }
}

module attributes {stable_mosaic.version = 14 : i64} {
  func.func @_k2_body(%arg0: i32, %arg1: memref<1000x64xf32, #tpu.memory_space<vmem>>, %arg2: memref<1000x64xf32, #tpu.memory_space<vmem>>, %arg3: memref<1000x64xf32, #tpu.memory_space<vmem>>, %arg4: memref<1000x16xf32, #tpu.memory_space<vmem>>, %arg5: memref<1000x16xf32, #tpu.memory_space<vmem>>, %arg6: memref<1x64xf32, #tpu.memory_space<vmem>>, %arg7: memref<64x64xf32, #tpu.memory_space<vmem>>, %arg8: memref<64x64xf32, #tpu.memory_space<vmem>>, %arg9: memref<1000x64xf32, #tpu.memory_space<vmem>>, %arg10: memref<1000x64xf32, #tpu.memory_space<vmem>>) attributes {dimension_semantics = [#tpu.dimension_semantics<arbitrary>], iteration_bounds = array<i64: 10>, scalar_prefetch = 0 : i64, scratch_operands = 0 : i64, tpu.core_type = #tpu.core_type<tc>, window_params = [{transform_indices = @transform_0, window_bounds = array<i64: 1000, 64>}, {transform_indices = @transform_1, window_bounds = array<i64: 1000, 64>}, {transform_indices = @transform_2, window_bounds = array<i64: 1000, 64>}, {transform_indices = @transform_3, window_bounds = array<i64: 1000, 16>}, {transform_indices = @transform_4, window_bounds = array<i64: 1000, 16>}, {pipeline_mode = #tpu.pipeline_mode<synchronous>, transform_indices = @transform_5, window_bounds = array<i64: 1, 64>}, {pipeline_mode = #tpu.pipeline_mode<synchronous>, transform_indices = @transform_6, window_bounds = array<i64: 64, 64>}, {pipeline_mode = #tpu.pipeline_mode<synchronous>, transform_indices = @transform_7, window_bounds = array<i64: 64, 64>}, {transform_indices = @transform_8, window_bounds = array<i64: 1000, 64>}, {transform_indices = @transform_9, window_bounds = array<i64: 1000, 64>}]} {
    %get3A = arith.constant 0 : index
    %get3A_0 = arith.constant 0 : index
    %get3A_1 = vector.load %arg4[%get3A, %get3A_0] : memref<1000x16xf32, #tpu.memory_space<vmem>>, vector<1000x1xf32>
    %get3A_2 = arith.constant 0 : index
    %get3A_3 = arith.constant 0 : index
    %get3A_4 = vector.load %arg5[%get3A_2, %get3A_3] : memref<1000x16xf32, #tpu.memory_space<vmem>>, vector<1000x1xf32>
    %add3A = arith.addf %get3A_1, %get3A_4 : vector<1000x1xf32>
    %max3A = arith.constant 1.000000e+00 : f32
    %max3A_5 = vector.broadcast %max3A : f32 to vector<1000x1xf32>
    %max3A_6 = arith.maximumf %add3A, %max3A_5 : vector<1000x1xf32>
    %get3A_7 = arith.constant 0 : index
    %get3A_8 = arith.constant 0 : index
    %get3A_9 = vector.load %arg1[%get3A_7, %get3A_8] : memref<1000x64xf32, #tpu.memory_space<vmem>>, vector<1000x64xf32>
    %get3A_10 = arith.constant 0 : index
    %get3A_11 = arith.constant 0 : index
    %get3A_12 = vector.load %arg2[%get3A_10, %get3A_11] : memref<1000x64xf32, #tpu.memory_space<vmem>>, vector<1000x64xf32>
    %get3A_13 = arith.constant 0 : index
    %get3A_14 = arith.constant 0 : index
    %get3A_15 = vector.load %arg3[%get3A_13, %get3A_14] : memref<1000x64xf32, #tpu.memory_space<vmem>>, vector<1000x64xf32>
    %add3A_16 = arith.addf %get3A_12, %get3A_15 : vector<1000x64xf32>
    %div3A = vector.broadcast %max3A_6 : vector<1000x1xf32> to vector<1000x64xf32>
    %div3A_17 = arith.divf %add3A_16, %div3A : vector<1000x64xf32>
    %add3A_18 = arith.addf %get3A_9, %div3A_17 : vector<1000x64xf32>
    %get3A_19 = arith.constant 0 : index
    %get3A_20 = arith.constant 0 : index
    %get3A_21 = vector.load %arg6[%get3A_19, %get3A_20] : memref<1x64xf32, #tpu.memory_space<vmem>>, vector<1x64xf32>
    %add3A_22 = vector.broadcast %get3A_21 : vector<1x64xf32> to vector<1000x64xf32>
    %add3A_23 = arith.addf %add3A_18, %add3A_22 : vector<1000x64xf32>
    %max3A_24 = arith.constant 0.000000e+00 : f32
    %max3A_25 = vector.broadcast %max3A_24 : f32 to vector<1000x64xf32>
    %max3A_26 = arith.maximumf %add3A_23, %max3A_25 : vector<1000x64xf32>
    %get3A_27 = arith.constant 0 : index
    %get3A_28 = arith.constant 0 : index
    %get3A_29 = vector.load %arg7[%get3A_27, %get3A_28] : memref<64x64xf32, #tpu.memory_space<vmem>>, vector<64x64xf32>
    %dot_general3A = arith.constant dense<0.000000e+00> : vector<1000x64xf32>
    %dot_general3A_30 = tpu.matmul %max3A_26, %get3A_29, %dot_general3A {dimension_numbers = #tpu.dot_dimension_numbers<[1], [0], [0], [1], [0, 0, 1, 1], [], []>, transpose_lhs_hint = false} : vector<1000x64xf32>, vector<64x64xf32>, vector<1000x64xf32> -> vector<1000x64xf32>
    %swap3A = arith.constant 0 : index
    %swap3A_31 = arith.constant 0 : index
    %swap3A_32 = vector.load %arg9[%swap3A, %swap3A_31] : memref<1000x64xf32, #tpu.memory_space<vmem>>, vector<1000x64xf32>
    tpu.vector_store %arg9[%swap3A, %swap3A_31], %dot_general3A_30 {strides = array<i32>} : memref<1000x64xf32, #tpu.memory_space<vmem>>, vector<1000x64xf32>,
    %get3A_33 = arith.constant 0 : index
    %get3A_34 = arith.constant 0 : index
    %get3A_35 = vector.load %arg8[%get3A_33, %get3A_34] : memref<64x64xf32, #tpu.memory_space<vmem>>, vector<64x64xf32>
    %dot_general3A_36 = arith.constant dense<0.000000e+00> : vector<1000x64xf32>
    %dot_general3A_37 = tpu.matmul %max3A_26, %get3A_35, %dot_general3A_36 {dimension_numbers = #tpu.dot_dimension_numbers<[1], [0], [0], [1], [0, 0, 1, 1], [], []>, transpose_lhs_hint = false} : vector<1000x64xf32>, vector<64x64xf32>, vector<1000x64xf32> -> vector<1000x64xf32>
    %swap3A_38 = arith.constant 0 : index
    %swap3A_39 = arith.constant 0 : index
    %swap3A_40 = vector.load %arg10[%swap3A_38, %swap3A_39] : memref<1000x64xf32, #tpu.memory_space<vmem>>, vector<1000x64xf32>
    tpu.vector_store %arg10[%swap3A_38, %swap3A_39], %dot_general3A_37 {strides = array<i32>} : memref<1000x64xf32, #tpu.memory_space<vmem>>, vector<1000x64xf32>,
    return
  }
  func.func @transform_0(%arg0: i32) -> (i32, i32) {
    %c0_i32 = arith.constant 0 : i32
    %c0_i32_0 = arith.constant 0 : i32
    return %arg0, %c0_i32 : i32, i32
  }
  func.func @transform_1(%arg0: i32) -> (i32, i32) {
    %c0_i32 = arith.constant 0 : i32
    %c0_i32_0 = arith.constant 0 : i32
    return %arg0, %c0_i32 : i32, i32
  }
  func.func @transform_2(%arg0: i32) -> (i32, i32) {
    %c0_i32 = arith.constant 0 : i32
    %c0_i32_0 = arith.constant 0 : i32
    return %arg0, %c0_i32 : i32, i32
  }
  func.func @transform_3(%arg0: i32) -> (i32, i32) {
    %c0_i32 = arith.constant 0 : i32
    %c0_i32_0 = arith.constant 0 : i32
    return %arg0, %c0_i32 : i32, i32
  }
  func.func @transform_4(%arg0: i32) -> (i32, i32) {
    %c0_i32 = arith.constant 0 : i32
    %c0_i32_0 = arith.constant 0 : i32
    return %arg0, %c0_i32 : i32, i32
  }
  func.func @transform_5(%arg0: i32) -> (i32, i32) {
    %c0_i32 = arith.constant 0 : i32
    %c0_i32_0 = arith.constant 0 : i32
    %c0_i32_1 = arith.constant 0 : i32
    return %c0_i32, %c0_i32_0 : i32, i32
  }
  func.func @transform_6(%arg0: i32) -> (i32, i32) {
    %c0_i32 = arith.constant 0 : i32
    %c0_i32_0 = arith.constant 0 : i32
    %c0_i32_1 = arith.constant 0 : i32
    return %c0_i32, %c0_i32_0 : i32, i32
  }
  func.func @transform_7(%arg0: i32) -> (i32, i32) {
    %c0_i32 = arith.constant 0 : i32
    %c0_i32_0 = arith.constant 0 : i32
    %c0_i32_1 = arith.constant 0 : i32
    return %c0_i32, %c0_i32_0 : i32, i32
  }
  func.func @transform_8(%arg0: i32) -> (i32, i32) {
    %c0_i32 = arith.constant 0 : i32
    %c0_i32_0 = arith.constant 0 : i32
    return %arg0, %c0_i32 : i32, i32
  }
  func.func @transform_9(%arg0: i32) -> (i32, i32) {
    %c0_i32 = arith.constant 0 : i32
    %c0_i32_0 = arith.constant 0 : i32
    return %arg0, %c0_i32 : i32, i32
  }
}

module attributes {stable_mosaic.version = 14 : i64} {
  func.func @_k3a_body(%arg0: i32, %arg1: memref<1000x64xf32, #tpu.memory_space<vmem>>, %arg2: memref<1000x64xf32, #tpu.memory_space<vmem>>, %arg3: memref<1000x64xf32, #tpu.memory_space<vmem>>, %arg4: memref<1000x16xf32, #tpu.memory_space<vmem>>, %arg5: memref<1000x16xf32, #tpu.memory_space<vmem>>, %arg6: memref<1x64xf32, #tpu.memory_space<vmem>>, %arg7: memref<1x64xf32, #tpu.memory_space<vmem>>, %arg8: memref<1x1xf32, #tpu.memory_space<vmem>>, %arg9: memref<1000x64xf32, #tpu.memory_space<vmem>>, %arg10: memref<1000x64xf32, #tpu.memory_space<vmem>>) attributes {dimension_semantics = [#tpu.dimension_semantics<arbitrary>], iteration_bounds = array<i64: 10>, scalar_prefetch = 0 : i64, scratch_operands = 0 : i64, tpu.core_type = #tpu.core_type<tc>, window_params = [{transform_indices = @transform_0, window_bounds = array<i64: 1000, 64>}, {transform_indices = @transform_1, window_bounds = array<i64: 1000, 64>}, {transform_indices = @transform_2, window_bounds = array<i64: 1000, 64>}, {transform_indices = @transform_3, window_bounds = array<i64: 1000, 16>}, {transform_indices = @transform_4, window_bounds = array<i64: 1000, 16>}, {pipeline_mode = #tpu.pipeline_mode<synchronous>, transform_indices = @transform_5, window_bounds = array<i64: 1, 64>}, {pipeline_mode = #tpu.pipeline_mode<synchronous>, transform_indices = @transform_6, window_bounds = array<i64: 1, 64>}, {pipeline_mode = #tpu.pipeline_mode<synchronous>, transform_indices = @transform_7, window_bounds = array<i64: 1, 1>}, {transform_indices = @transform_8, window_bounds = array<i64: 1000, 64>}, {transform_indices = @transform_9, window_bounds = array<i64: 1000, 64>}]} {
    %get3A = arith.constant 0 : index
    %get3A_0 = arith.constant 0 : index
    %get3A_1 = vector.load %arg4[%get3A, %get3A_0] : memref<1000x16xf32, #tpu.memory_space<vmem>>, vector<1000x1xf32>
    %get3A_2 = arith.constant 0 : index
    %get3A_3 = arith.constant 0 : index
    %get3A_4 = vector.load %arg5[%get3A_2, %get3A_3] : memref<1000x16xf32, #tpu.memory_space<vmem>>, vector<1000x1xf32>
    %add3A = arith.addf %get3A_1, %get3A_4 : vector<1000x1xf32>
    %max3A = arith.constant 1.000000e+00 : f32
    %max3A_5 = vector.broadcast %max3A : f32 to vector<1000x1xf32>
    %max3A_6 = arith.maximumf %add3A, %max3A_5 : vector<1000x1xf32>
    %get3A_7 = arith.constant 0 : index
    %get3A_8 = arith.constant 0 : index
    %get3A_9 = vector.load %arg1[%get3A_7, %get3A_8] : memref<1000x64xf32, #tpu.memory_space<vmem>>, vector<1000x64xf32>
    %get3A_10 = arith.constant 0 : index
    %get3A_11 = arith.constant 0 : index
    %get3A_12 = vector.load %arg2[%get3A_10, %get3A_11] : memref<1000x64xf32, #tpu.memory_space<vmem>>, vector<1000x64xf32>
    %get3A_13 = arith.constant 0 : index
    %get3A_14 = arith.constant 0 : index
    %get3A_15 = vector.load %arg3[%get3A_13, %get3A_14] : memref<1000x64xf32, #tpu.memory_space<vmem>>, vector<1000x64xf32>
    %add3A_16 = arith.addf %get3A_12, %get3A_15 : vector<1000x64xf32>
    %div3A = vector.broadcast %max3A_6 : vector<1000x1xf32> to vector<1000x64xf32>
    %div3A_17 = arith.divf %add3A_16, %div3A : vector<1000x64xf32>
    %add3A_18 = arith.addf %get3A_9, %div3A_17 : vector<1000x64xf32>
    %get3A_19 = arith.constant 0 : index
    %get3A_20 = arith.constant 0 : index
    %get3A_21 = vector.load %arg6[%get3A_19, %get3A_20] : memref<1x64xf32, #tpu.memory_space<vmem>>, vector<1x64xf32>
    %add3A_22 = vector.broadcast %get3A_21 : vector<1x64xf32> to vector<1000x64xf32>
    %add3A_23 = arith.addf %add3A_18, %add3A_22 : vector<1000x64xf32>
    %max3A_24 = arith.constant 0.000000e+00 : f32
    %max3A_25 = vector.broadcast %max3A_24 : f32 to vector<1000x64xf32>
    %max3A_26 = arith.maximumf %add3A_23, %max3A_25 : vector<1000x64xf32>
    %get3A_27 = arith.constant 0 : index
    %get3A_28 = arith.constant 0 : index
    %get3A_29 = vector.load %arg7[%get3A_27, %get3A_28] : memref<1x64xf32, #tpu.memory_space<vmem>>, vector<1x64xf32>
    %mul3A = vector.broadcast %get3A_29 : vector<1x64xf32> to vector<1000x64xf32>
    %mul3A_30 = arith.mulf %max3A_26, %mul3A : vector<1000x64xf32>
    %reduce_sum3A = arith.constant dense<0.000000e+00> : vector<1000xf32>
    %reduce_sum3A_31 = vector.multi_reduction <add>, %mul3A_30, %reduce_sum3A [1] : vector<1000x64xf32> to vector<1000xf32>
    %broadcast_in_dim3A = vector.shape_cast %reduce_sum3A_31 : vector<1000xf32> to vector<1000x1xf32>
    %get3A_32 = arith.constant 0 : index
    %get3A_33 = arith.constant 0 : index
    %get3A_34 = vector.load %arg8[%get3A_32, %get3A_33] : memref<1x1xf32, #tpu.memory_space<vmem>>, vector<1x1xf32>
    %add3A_35 = vector.broadcast %get3A_34 : vector<1x1xf32> to vector<1000x1xf32>
    %add3A_36 = arith.addf %broadcast_in_dim3A, %add3A_35 : vector<1000x1xf32>
    %logistic3A = arith.negf %add3A_36 : vector<1000x1xf32>
    %logistic3A_37 = math.exp %logistic3A : vector<1000x1xf32>
    %logistic3A_38 = arith.constant 1.000000e+00 : f32
    %logistic3A_39 = vector.broadcast %logistic3A_38 : f32 to vector<1000x1xf32>
    %logistic3A_40 = arith.addf %logistic3A_39, %logistic3A_37 : vector<1000x1xf32>
    %logistic3A_41 = arith.divf %logistic3A_39, %logistic3A_40 : vector<1000x1xf32>
    %swap3A = arith.constant 0 : index
    %swap3A_42 = arith.constant 0 : index
    %swap3A_43 = vector.load %arg9[%swap3A, %swap3A_42] : memref<1000x64xf32, #tpu.memory_space<vmem>>, vector<1000x64xf32>
    tpu.vector_store %arg9[%swap3A, %swap3A_42], %max3A_26 {strides = array<i32>} : memref<1000x64xf32, #tpu.memory_space<vmem>>, vector<1000x64xf32>,
    %mul3A_44 = vector.broadcast %logistic3A_41 : vector<1000x1xf32> to vector<1000x64xf32>
    %mul3A_45 = arith.mulf %mul3A_44, %max3A_26 : vector<1000x64xf32>
    %swap3A_46 = arith.constant 0 : index
    %swap3A_47 = arith.constant 0 : index
    %swap3A_48 = vector.load %arg10[%swap3A_46, %swap3A_47] : memref<1000x64xf32, #tpu.memory_space<vmem>>, vector<1000x64xf32>
    tpu.vector_store %arg10[%swap3A_46, %swap3A_47], %mul3A_45 {strides = array<i32>} : memref<1000x64xf32, #tpu.memory_space<vmem>>, vector<1000x64xf32>,
    return
  }
  func.func @transform_0(%arg0: i32) -> (i32, i32) {
    %c0_i32 = arith.constant 0 : i32
    %c0_i32_0 = arith.constant 0 : i32
    return %arg0, %c0_i32 : i32, i32
  }
  func.func @transform_1(%arg0: i32) -> (i32, i32) {
    %c0_i32 = arith.constant 0 : i32
    %c0_i32_0 = arith.constant 0 : i32
    return %arg0, %c0_i32 : i32, i32
  }
  func.func @transform_2(%arg0: i32) -> (i32, i32) {
    %c0_i32 = arith.constant 0 : i32
    %c0_i32_0 = arith.constant 0 : i32
    return %arg0, %c0_i32 : i32, i32
  }
  func.func @transform_3(%arg0: i32) -> (i32, i32) {
    %c0_i32 = arith.constant 0 : i32
    %c0_i32_0 = arith.constant 0 : i32
    return %arg0, %c0_i32 : i32, i32
  }
  func.func @transform_4(%arg0: i32) -> (i32, i32) {
    %c0_i32 = arith.constant 0 : i32
    %c0_i32_0 = arith.constant 0 : i32
    return %arg0, %c0_i32 : i32, i32
  }
  func.func @transform_5(%arg0: i32) -> (i32, i32) {
    %c0_i32 = arith.constant 0 : i32
    %c0_i32_0 = arith.constant 0 : i32
    %c0_i32_1 = arith.constant 0 : i32
    return %c0_i32, %c0_i32_0 : i32, i32
  }
  func.func @transform_6(%arg0: i32) -> (i32, i32) {
    %c0_i32 = arith.constant 0 : i32
    %c0_i32_0 = arith.constant 0 : i32
    %c0_i32_1 = arith.constant 0 : i32
    return %c0_i32, %c0_i32_0 : i32, i32
  }
  func.func @transform_7(%arg0: i32) -> (i32, i32) {
    %c0_i32 = arith.constant 0 : i32
    %c0_i32_0 = arith.constant 0 : i32
    %c0_i32_1 = arith.constant 0 : i32
    return %c0_i32, %c0_i32_0 : i32, i32
  }
  func.func @transform_8(%arg0: i32) -> (i32, i32) {
    %c0_i32 = arith.constant 0 : i32
    %c0_i32_0 = arith.constant 0 : i32
    return %arg0, %c0_i32 : i32, i32
  }
  func.func @transform_9(%arg0: i32) -> (i32, i32) {
    %c0_i32 = arith.constant 0 : i32
    %c0_i32_0 = arith.constant 0 : i32
    return %arg0, %c0_i32 : i32, i32
  }
}

module attributes {stable_mosaic.version = 14 : i64} {
  func.func @_k3b_body(%arg0: memref<10000x64xf32, #tpu.memory_space<vmem>>, %arg1: memref<10000x64xf32, #tpu.memory_space<vmem>>, %arg2: memref<10000x1xi32, #tpu.memory_space<vmem>>, %arg3: memref<128x128xf32, #tpu.memory_space<vmem>>, %arg4: memref<1x128xf32, #tpu.memory_space<vmem>>, %arg5: memref<1x128xf32, #tpu.memory_space<vmem>>, %arg6: memref<1x128xf32, #tpu.memory_space<vmem>>, %arg7: memref<128x1xf32, #tpu.memory_space<vmem>>, %arg8: memref<1x1xf32, #tpu.memory_space<vmem>>, %arg9: memref<256x1xf32, #tpu.memory_space<vmem>>) attributes {dimension_semantics = [], scalar_prefetch = 0 : i64, scratch_operands = 0 : i64, tpu.core_type = #tpu.core_type<tc>} {
    %broadcast_in_dim3A = arith.constant 0.000000e+00 : f32
    %broadcast_in_dim3A_0 = vector.broadcast %broadcast_in_dim3A : f32 to vector<256x64xf32>
    %broadcast_in_dim3A_1 = arith.constant 0xFF800000 : f32
    %broadcast_in_dim3A_2 = vector.broadcast %broadcast_in_dim3A_1 : f32 to vector<256x64xf32>
    %scan3A = arith.constant 0 : i32
    %scan3A_3 = arith.constant 10 : i32
    %scan3A_4 = arith.addi %scan3A, %scan3A_3 : i32
    %scan3A_5 = arith.constant 1 : i32
    %scan3A_6:2 = scf.for %scan3A_38 = %scan3A to %scan3A_4 step %scan3A_5 iter_args(%scan3A_39 = %broadcast_in_dim3A_0, %scan3A_40 = %broadcast_in_dim3A_2) -> (vector<256x64xf32>, vector<256x64xf32>)  : i32 {
      %mul3A_41 = arith.constant 1000 : i32
      %mul3A_42 = arith.muli %scan3A_38, %mul3A_41 : i32
      %get3A_43 = arith.index_cast %mul3A_42 : i32 to index
      %get3A_44 = arith.constant 0 : index
      %get3A_45 = vector.load %arg1[%get3A_43, %get3A_44] : memref<10000x64xf32, #tpu.memory_space<vmem>>, vector<1000x64xf32>
      %mul3A_46 = arith.constant 1000 : i32
      %mul3A_47 = arith.muli %scan3A_38, %mul3A_46 : i32
      %get3A_48 = arith.index_cast %mul3A_47 : i32 to index
      %get3A_49 = arith.constant 0 : index
      %get3A_50 = vector.load %arg2[%get3A_48, %get3A_49] : memref<10000x1xi32, #tpu.memory_space<vmem>>, vector<1000x1xi32>
      %iota3A = tpu.iota {dimensions = array<i32: 1>} : vector<1000x256xi32>
      %eq3A = vector.broadcast %get3A_50 : vector<1000x1xi32> to vector<1000x256xi32>
      %eq3A_51 = arith.cmpi eq, %eq3A, %iota3A : vector<1000x256xi32>
      %convert_element_type3A = arith.extui %eq3A_51 : vector<1000x256xi1> to vector<1000x256xi32>
      %convert_element_type3A_52 = arith.sitofp %convert_element_type3A : vector<1000x256xi32> to vector<1000x256xf32>
      %dot_general3A_53 = arith.constant dense<0.000000e+00> : vector<256x64xf32>
      %dot_general3A_54 = tpu.matmul %convert_element_type3A_52, %get3A_45, %dot_general3A_53 {dimension_numbers = #tpu.dot_dimension_numbers<[0], [0], [1], [1], [0, 1, 1, 1], [], []>, transpose_lhs_hint = false} : vector<1000x256xf32>, vector<1000x64xf32>, vector<256x64xf32> -> vector<256x64xf32>
      %add3A_55 = arith.addf %scan3A_39, %dot_general3A_54 : vector<256x64xf32>
      %scan3A_56 = arith.constant 0 : i32
      %scan3A_57 = arith.constant 20 : i32
      %scan3A_58 = arith.addi %scan3A_56, %scan3A_57 : i32
      %scan3A_59 = arith.constant 1 : i32
      %scan3A_60 = scf.for %scan3A_62 = %scan3A_56 to %scan3A_58 step %scan3A_59 iter_args(%scan3A_63 = %scan3A_40) -> (vector<256x64xf32>)  : i32 {
        %mul3A_64 = arith.constant 1000 : i32
        %mul3A_65 = arith.muli %scan3A_38, %mul3A_64 : i32
        %mul3A_66 = arith.constant 50 : i32
        %mul3A_67 = arith.muli %scan3A_62, %mul3A_66 : i32
        %add3A_68 = arith.addi %mul3A_65, %mul3A_67 : i32
        %get3A_69 = arith.index_cast %add3A_68 : i32 to index
        %get3A_70 = arith.constant 0 : index
        %get3A_71 = vector.load %arg2[%get3A_69, %get3A_70] : memref<10000x1xi32, #tpu.memory_space<vmem>>, vector<50x1xi32>
        %get3A_72 = arith.index_cast %add3A_68 : i32 to index
        %get3A_73 = arith.constant 0 : index
        %get3A_74 = vector.load %arg0[%get3A_72, %get3A_73] : memref<10000x64xf32, #tpu.memory_space<vmem>>, vector<50x64xf32>
        %iota3A_75 = tpu.iota {dimensions = array<i32: 1>} : vector<50x256xi32>
        %eq3A_76 = vector.broadcast %get3A_71 : vector<50x1xi32> to vector<50x256xi32>
        %eq3A_77 = arith.cmpi eq, %eq3A_76, %iota3A_75 : vector<50x256xi32>
        %jit3A = arith.constant 0.000000e+00 : f32
        %jit3A_78 = arith.constant 0xFF800000 : f32
        %broadcast_in_dim3A_79 = vector.broadcast %jit3A : f32 to vector<50x256xf32>
        %broadcast_in_dim3A_80 = vector.broadcast %jit3A_78 : f32 to vector<50x256xf32>
        %select_n3A = arith.select %eq3A_77, %broadcast_in_dim3A_79, %broadcast_in_dim3A_80 : vector<50x256xi1>, vector<50x256xf32>
        %broadcast_in_dim3A_81 = vector.shape_cast %get3A_74 : vector<50x64xf32> to vector<50x1x64xf32>
        %broadcast_in_dim3A_82 = vector.shape_cast %select_n3A : vector<50x256xf32> to vector<50x256x1xf32>
        %add3A_83 = vector.broadcast %broadcast_in_dim3A_81 : vector<50x1x64xf32> to vector<50x256x64xf32>
        %add3A_84 = vector.broadcast %broadcast_in_dim3A_82 : vector<50x256x1xf32> to vector<50x256x64xf32>
        %add3A_85 = arith.addf %add3A_83, %add3A_84 : vector<50x256x64xf32>
        %reduce_max3A = arith.constant dense<0xFF800000> : vector<256x64xf32>
        %reduce_max3A_86 = vector.multi_reduction <maximumf>, %add3A_85, %reduce_max3A [0] : vector<50x256x64xf32> to vector<256x64xf32>
        %max3A_87 = arith.maximumf %scan3A_63, %reduce_max3A_86 : vector<256x64xf32>
        scf.yield %max3A_87 : vector<256x64xf32>
      }
      %scan3A_61 = arith.constant 20 : i32
      scf.yield %add3A_55, %scan3A_60 : vector<256x64xf32>, vector<256x64xf32>
    }
    %scan3A_7 = arith.constant 10 : i32
    %concatenate3A = tpu.concatenate %scan3A_6#0, %scan3A_6#1 in 1 : vector<256x64xf32>, vector<256x64xf32> -> vector<256x128xf32>
    %get3A = arith.constant 0 : index
    %get3A_8 = arith.constant 0 : index
    %get3A_9 = vector.load %arg3[%get3A, %get3A_8] : memref<128x128xf32, #tpu.memory_space<vmem>>, vector<128x128xf32>
    %dot_general3A = arith.constant dense<0.000000e+00> : vector<256x128xf32>
    %dot_general3A_10 = tpu.matmul %concatenate3A, %get3A_9, %dot_general3A {dimension_numbers = #tpu.dot_dimension_numbers<[1], [0], [0], [1], [0, 0, 1, 1], [], []>, transpose_lhs_hint = false} : vector<256x128xf32>, vector<128x128xf32>, vector<256x128xf32> -> vector<256x128xf32>
    %get3A_11 = arith.constant 0 : index
    %get3A_12 = arith.constant 0 : index
    %get3A_13 = vector.load %arg4[%get3A_11, %get3A_12] : memref<1x128xf32, #tpu.memory_space<vmem>>, vector<1x128xf32>
    %add3A = vector.broadcast %get3A_13 : vector<1x128xf32> to vector<256x128xf32>
    %add3A_14 = arith.addf %dot_general3A_10, %add3A : vector<256x128xf32>
    %max3A = arith.constant 0.000000e+00 : f32
    %max3A_15 = vector.broadcast %max3A : f32 to vector<256x128xf32>
    %max3A_16 = arith.maximumf %add3A_14, %max3A_15 : vector<256x128xf32>
    %get3A_17 = arith.constant 0 : index
    %get3A_18 = arith.constant 0 : index
    %get3A_19 = vector.load %arg5[%get3A_17, %get3A_18] : memref<1x128xf32, #tpu.memory_space<vmem>>, vector<1x128xf32>
    %mul3A = vector.broadcast %get3A_19 : vector<1x128xf32> to vector<256x128xf32>
    %mul3A_20 = arith.mulf %max3A_16, %mul3A : vector<256x128xf32>
    %get3A_21 = arith.constant 0 : index
    %get3A_22 = arith.constant 0 : index
    %get3A_23 = vector.load %arg6[%get3A_21, %get3A_22] : memref<1x128xf32, #tpu.memory_space<vmem>>, vector<1x128xf32>
    %add3A_24 = vector.broadcast %get3A_23 : vector<1x128xf32> to vector<256x128xf32>
    %add3A_25 = arith.addf %mul3A_20, %add3A_24 : vector<256x128xf32>
    %get3A_26 = arith.constant 0 : index
    %get3A_27 = arith.constant 0 : index
    %get3A_28 = vector.load %arg7[%get3A_26, %get3A_27] : memref<128x1xf32, #tpu.memory_space<vmem>>, vector<128x1xf32>
    %dot_general3A_29 = arith.constant dense<0.000000e+00> : vector<256x1xf32>
    %dot_general3A_30 = tpu.matmul %add3A_25, %get3A_28, %dot_general3A_29 {dimension_numbers = #tpu.dot_dimension_numbers<[1], [0], [0], [1], [0, 0, 1, 1], [], []>, transpose_lhs_hint = false} : vector<256x128xf32>, vector<128x1xf32>, vector<256x1xf32> -> vector<256x1xf32>
    %get3A_31 = arith.constant 0 : index
    %get3A_32 = arith.constant 0 : index
    %get3A_33 = vector.load %arg8[%get3A_31, %get3A_32] : memref<1x1xf32, #tpu.memory_space<vmem>>, vector<1x1xf32>
    %add3A_34 = vector.broadcast %get3A_33 : vector<1x1xf32> to vector<256x1xf32>
    %add3A_35 = arith.addf %dot_general3A_30, %add3A_34 : vector<256x1xf32>
    %swap3A = arith.constant 0 : index
    %swap3A_36 = arith.constant 0 : index
    %swap3A_37 = vector.load %arg9[%swap3A, %swap3A_36] : memref<256x1xf32, #tpu.memory_space<vmem>>, vector<256x1xf32>
    tpu.vector_store %arg9[%swap3A, %swap3A_36], %add3A_35 {strides = array<i32>} : memref<256x1xf32, #tpu.memory_space<vmem>>, vector<256x1xf32>,
    return
  }
}

</mosaic_0001>

<sc_bundles>
// kernel: kernel.11.cloned.1.call-start
scs
__scs_entry_jumppad:
0x0: {  	(pc) =	sbr.rel $0x88, $3  }
0x1: {  	(tag) =	ssettag $0x0;
	lr =	simm.s32 $0x1  }
0x2: {  	[smem:$0x3F8E] =	sst lr;
	_ =	strace $0xD0000000  }
0x3: {  	_ = 	snop  }
0x4: {  	_ = 	snop  }
0x5: {  	_ = 	snop  }
0x6: {  	_ = 	snop  }
0x7: {  	_ = 	snop  }
__scs_overlays_trampoline_lowered:
0x8: {  	[smem:$0x3F9D] =	sst s0  }
0x9: {  	[smem:$0x3F9E] =	sst s1  }
0xa: {  	[smem:$0x3F9F] =	sst s2  }
0xb: {  	[smem:$0x3FA0] =	sst s3  }
0xc: {  	[smem:$0x3FA1] =	sst s4  }
0xd: {  	[smem:$0x3FA2] =	sst s5  }
0xe: {  	[smem:$0x3FA3] =	sst s6  }
0xf: {  	[smem:$0x3FA4] =	sst s7  }
0x10: {  	[smem:$0x3FA5] =	sst s8  }
0x11: {  	[smem:$0x3FA6] =	sst s9;
	s0 =	simm.s32 @!p0 $0x0  }
0x12: {  	s1 =	sld [smem:$0x3F8C];
	s0 =	simm.s32 @p0 $0x1  }
0x13: {  	[smem:$0x3FA7] =	sst s0;
	s0 =	simm.s32 @!p1 $0x0  }
0x14: {  	s2 =	sld [smem:$0x3F8B];
	s0 =	simm.s32 @p1 $0x1  }
0x15: {  	[smem:$0x3FA8] =	sst s0;
	s0 =	simm.s32 @!p2 $0x0  }
0x16: {  	s3 =	sld [smem:$0x3FDB];
	s0 =	simm.s32 @p2 $0x1  }
0x17: {  	s4 =	simm.s32 $0x1BF5;
	[smem:$0x3FAA] =	sst s0  }
0x18: {  	s0 =	sld [smem:$0x3F8D];
	_ =	swait.ge [sflag:s4], $0x0  }
0x19: {  	s7 =	sld [smem:$0x3F8E]  }
0x1a: {  	s8 =	sadd.s32 $0xFFFFE003, lr  }
0x1b: {  	s9 =	sadd.s32 $0xFFFFFEF7, lr;
	s5 =	simm.s32 $0xFFFFFFFF;
	p2 =	slt.u32 s8, $0xFFFFF086  }
0x1c: {  	p1 =	slt.u32 s9, $0xF7A;
	s5 =	simm.s32 @!p2 $0x0  }
0x1d: {  	s5 =	simm.s32 @p1 $0x1;
	p0 =	seq.s32 s7, s2  }
0x1e: {  	s7 =	smul.u32 @!p0 $0xF7A, s2;
	p2 =	seq.s32 @!p0 s5, $0x0  }
0x1f: {  	s9 =	smul.u32 $0xF7A, s1;
	s8 =	simm.s32 @!p0 $0x1BF5;
	p2 =	por !p2, p0  }
0x20: {  	[sflag:s8] =	ssyncset.s32 @!p0 $0xFFFFF086;
	s6 =	sadd.s32 @!p0 s3, s7;
	s7 =	simm.s32 @!p0 $0x108  }
0x21: {  	s3 =	sadd.s32 s3, s9;
	s6 =	sadd.s32 @!p0 $0x88, s6;
	s7 =	simm.s32 @p2 $0x1082  }
0x22: {  	[simem:s7], [sflag:s8] =	dma.local @!p0 [hbm:s6], $0xF7A  }
0x23: {  	s9 =	sor.u32 $0xD0000000, s2;
	s6 =	simm.s32 $0x108;
	_ =	swait.ge @!p0 [sflag:s8], $0x0  }
0x24: {  	s3 =	sadd.s32 $0x88, s3;
	s6 =	simm.s32 @!p1 $0x1082;
	[sflag:s4] =	ssyncset.s32 $0xFFFFF086  }
0x25: {  	[simem:s6], [sflag:s4] =	dma.local [hbm:s3], $0xF7A  }
0x26: {  	[smem:$0x3F8E] =	sst s1;
	(tag) =	ssettag s2;
	_ =	strace s9  }
0x27: {  	s1 =	sld [smem:$0x3F9E]  }
0x28: {  	s2 =	sld [smem:$0x3F9F]  }
0x29: {  	s4 =	sld [smem:$0x3FA1]  }
0x2a: {  	p0 =	seq.s32 s5, $0x0;
	s5 =	sld [smem:$0x3FA2]  }
0x2b: {  	s6 =	sld [smem:$0x3FA3]  }
0x2c: {  	s7 =	sld [smem:$0x3FA4]  }
0x2d: {  	s3 =	simm.s32 $0x108;
	s8 =	sld [smem:$0x3FA5]  }
0x2e: {  	s3 =	simm.s32 @!p0 $0x1082;
	s9 =	sld [smem:$0x3FA6]  }
0x2f: {  	lr =	sadd.s32 s0, s3;
	s0 =	sld [smem:$0x3F9D]  }
0x30: {  	s3 =	sld [smem:$0x3FA0]  }
0x31: {  	[smem:$0x3FA9] =	sst s10  }
0x32: {  	s10 =	sld [smem:$0x3FA7];
	_ =	sdelay $0x3  }
0x33: {  	p0 =	seq.s32 s10, $0x1;
	s10 =	sld [smem:$0x3FA9];
	_ =	sdelay $0x3  }
0x34: {  	[smem:$0x3FA9] =	sst s10  }
0x35: {  	s10 =	sld [smem:$0x3FA8];
	_ =	sdelay $0x3  }
0x36: {  	p1 =	seq.s32 s10, $0x1;
	s10 =	sld [smem:$0x3FA9];
	_ =	sdelay $0x3  }
0x37: {  	[smem:$0x3FA9] =	sst s10  }
0x38: {  	s10 =	sld [smem:$0x3FAA]  }
0x39: {  	_ = 	snop;
	(pc) =	sbr.ind lr, $3  }
0x3a: {  	_ = 	snop  }
0x3b: {  	_ = 	snop  }
0x3c: {  	p2 =	seq.s32 s10, $0x1;
	s10 =	sld [smem:$0x3FA9]  }
0x3d: {  	_ =	shalt  }
0x3e: {  	_ =	shalt  }
0x3f: {  	_ =	shalt  }
0x40: {  	_ =	shalt  }
0x41: {  	_ =	shalt  }
0x42: {  	_ =	shalt  }
0x43: {  	_ =	shalt  }
0x44: {  	_ =	shalt  }
0x45: {  	_ =	shalt  }
0x46: {  	_ =	shalt  }
0x47: {  	_ =	shalt  }
0x48: {  	_ =	shalt  }
0x49: {  	_ =	shalt  }
0x4a: {  	_ =	shalt  }
0x4b: {  	_ =	shalt  }
0x4c: {  	_ =	shalt  }
0x4d: {  	_ =	shalt  }
0x4e: {  	_ =	shalt  }
0x4f: {  	_ =	shalt  }
0x50: {  	_ =	shalt  }
0x51: {  	_ =	shalt  }
0x52: {  	_ =	shalt  }
0x53: {  	_ =	shalt  }
0x54: {  	_ =	shalt  }
0x55: {  	_ =	shalt  }
0x56: {  	_ =	shalt  }
0x57: {  	_ =	shalt  }
0x58: {  	_ =	shalt  }
0x59: {  	_ =	shalt  }
0x5a: {  	_ =	shalt  }
0x5b: {  	_ =	shalt  }
0x5c: {  	_ =	shalt  }
0x5d: {  	_ =	shalt  }
0x5e: {  	_ =	shalt  }
0x5f: {  	_ =	shalt  }
0x60: {  	_ =	shalt  }
0x61: {  	_ =	shalt  }
0x62: {  	_ =	shalt  }
0x63: {  	_ =	shalt  }
0x64: {  	_ =	shalt  }
0x65: {  	_ =	shalt  }
0x66: {  	_ =	shalt  }
0x67: {  	_ =	shalt  }
0x68: {  	_ =	shalt  }
0x69: {  	_ =	shalt  }
0x6a: {  	_ =	shalt  }
0x6b: {  	_ =	shalt  }
0x6c: {  	_ =	shalt  }
0x6d: {  	_ =	shalt  }
0x6e: {  	_ =	shalt  }
0x6f: {  	_ =	shalt  }
0x70: {  	_ =	shalt  }
0x71: {  	_ =	shalt  }
0x72: {  	_ =	shalt  }
0x73: {  	_ =	shalt  }
0x74: {  	_ =	shalt  }
0x75: {  	_ =	shalt  }
0x76: {  	_ =	shalt  }
0x77: {  	_ =	shalt  }
0x78: {  	_ =	shalt  }
0x79: {  	_ =	shalt  }
0x7a: {  	_ =	shalt  }
0x7b: {  	_ =	shalt  }
0x7c: {  	_ =	shalt  }
0x7d: {  	_ =	shalt  }
0x7e: {  	_ =	shalt  }
0x7f: {  	_ =	shalt  }
0x80: {  	_ =	shalt  }
0x81: {  	_ =	shalt  }
0x82: {  	_ =	shalt  }
0x83: {  	_ =	shalt  }
0x84: {  	_ =	shalt  }
0x85: {  	_ =	shalt  }
0x86: {  	_ =	shalt  }
0x87: {  	_ =	shalt  }
.Lfunc_end0:
.L_simem_size_0:
called_computation.1_lowered:
.L_overlay_start_0:
0x88: {  	s2 =	sld [smem:$0x3FD9]  }
0x89: {  	s3 =	sld [smem:$0x3FFE];
	_ =	sdelay $0x1  }
0x8a: {  	s1 =	srdreg.scid  }
0x8b: {  	s0 =	sand.u32 $0x1, s1  }
0x8c: {  	s16 =	sshll.u32 s0, $0xA;
	s2 =	sadd.s32 s3, s2  }
0x8d: {  	s2 =	sadd.s32 s2, s16  }
0x8e: {  	[smem:$0x3FB5] =	sst s2  }
0x8f: {  	_ = 	snop  }
0x90: {  	(tm) =	ssettm $0x1  }
0x91: {  	s17 =	sld [smem:$0x3FFB];
	_ =	sdelay $0x3  }
0x92: {  	_ =	strace s17  }
0x93: {  	s2 =	sld [smem:$0x3FFC];
	_ =	sdelay $0x3  }
0x94: {  	_ =	strace s2  }
0x95: {  	s2 =	sld [smem:$0x3FFD];
	_ =	sdelay $0x3  }
0x96: {  	_ =	strace s2  }
0x97: {  	_ =	strace $0x8FFFFFFF  }
0x98: {  	s18 =	sld [smem:$0x3FDB];
	_ =	sdelay $0x1  }
0x99: {  	s19 =	simm.s32 $_scs_section_size  }
0x9a: {  	s4 =	simm.s32 $_size__tile_overlayer_lowered;
	s5 =	simm.s32 $_tile_overlayer_lowered  }
0x9b: {  	s22 =	simm.s32 $0x1BFF;
	s21 =	sshll.u32 s5, $0x1;
	s2 =	sadd.s32 s19, s18  }
0x9c: {  	s6 =	simm.s32 $0x0;
	s20 =	sshll.u32 s4, $0x1;
	s4 =	sadd.s32 s21, s2  }
0x9d: {  	[timem:s6], [sflag:s22] =	dma.local [hbm:s4], s20  }
0x9e: {  	_ =	swait.ge [sflag:s22], s20  }
0x9f: {  	s3 =	ssub.s32 $0x0, s20;
	[sflag:s22] =	ssyncset.done $0x0  }
0xa0: {  	[sflag:s22] =	ssyncadd.s32 s3;
	_ =	sdelay $0x1  }
0xa1: {  	s23 =	simm.s32 $0x1B8B  }
0xa2: {  	_ =	swait.ge [sflag:s23], $0x1  }
0xa3: {  	[sflag:s23] =	ssyncset.done $0x0  }
0xa4: {  	s25 =	simm.s32 $0x1B8E;
	s24 =	sld [smem:$0x3FFE];
	[sflag:s23] =	ssyncadd.s32 $0xFFFFFFFF  }
0xa5: {  	s26 =	simm.s32 $execute0_lowered;
	[smem:$0x3FD2] =	sst s25  }
0xa6: {  	s4 =	sshll.u32 s26, $0x1;
	_ =	strace $0x80000049;
	[dreg:$0x1] =	wrdreg $0xFFFFFFFF  }
0xa7: {  	s28 =	simm.s32 $_size_execute0_lowered;
	s2 =	sadd.s32 s2, s4;
	[dreg:$0x0] =	wrdreg $0x0  }
0xa8: {  	s4 =	sshll.u32 s28, $0x1;
	[dreg:$0x2] =	wrdreg s2  }
0xa9: {  	[dreg:$0x3] =	wrdreg s4  }
0xaa: {  	[dreg:$0x4] =	wrdreg $0xC0  }
0xab: {  	_ =	task [dreg:s6], $0x5FFFF  }
0xac: {  	[dreg:$0x1] =	wrdreg $0xFFFFFFFF  }
0xad: {  	[dreg:$0x0] =	wrdreg $0x60  }
0xae: {  	[dreg:$0x2] =	wrdreg s24  }
0xaf: {  	[dreg:$0x3] =	wrdreg $0xA0000  }
0xb0: {  	[dreg:$0x4] =	wrdreg $0x9  }
0xb1: {  	_ =	task.clear_ibuf [dreg:s6], $0x5FFFF;
	_ =	strace $0x90000049  }
0xb2: {  	s29 =	simm.s32 $0x9;
	_ =	strace $0x8000004B  }
0xb3: {  	_ =	swait.ge [sflag:s29], $0x1  }
0xb4: {  	[sflag:s29] =	ssyncadd.s32 $0xFFFFFFFF  }
0xb5: {  	_ =	strace $0x9000004B  }
0xb6: {  	_ =	sfence  }
0xb7: {  	s30 =	sld [smem:$0x0];
	_ =	sdelay $0x2  }
0xb8: {  	s31 =	sshll.u32 s1, $0xD;
	s1 =	sshrl.u32 s1, $0x2  }
0xb9: {  	s3 =	sand.u32 $0x4000, s31;
	s1 =	sadd.s32 s1, s30  }
0xba: {  	s0 =	sor.u32 s3, s0;
	s1 =	sshll.u32 s1, $0x11  }
0xbb: {  	s0 =	sor.u32 s1, s0  }
0xbc: {  	s0 =	sadd.s32 $0x8F2B, s0  }
0xbd: {  	[sflag:s0] =	ssyncadd.remote.s32 $0x1  }
0xbe: {  	_ =	sfence.sel $0xFFFF  }
0xbf: {  	[dreg:$0x0] =	wrdreg $0xFFFFFFFF;
	(pc) =	sbr.abs _section_cstart, $3  }
0xc0: {  	[dreg:$0x1] =	wrdreg $0xFFFFFFFF  }
0xc1: {  	_ =	task.clear_ibuf [dreg:s6], $0x2FFFF;
	_ =	strace $0x9FFFFFFF  }
0xc2: {  	(tm) =	ssettm $0x7FFFFFFF  }
0xc3: {  	_ =	shalt  }
tec
execute0_lowered:
.L_overlay_start_1:
0x0: {  	(tag) =	ssettag $0x1  }
0x1: {  	s0 =	srdreg.scid;
	s5 =	rddreg [dreg:$0x0]  }
0x2: {  	s12 =	stileid.u32;
	s2 =	rddreg [dreg:$0x1];
	s3 =	simm.s32 $0x0  }
0x3: {  	s11 =	simm.s32 $0x2800;
	s14 =	simm.s32 $0x50;
	s15 =	simm.s32 $0x5000  }
0x4: {  	s16 =	simm.s32 $0x6400;
	s18 =	simm.s32 $0x7800;
	s20 =	simm.s32 $0x8C00  }
0x5: {  	s21 =	simm.s32 $0x1;
	s22 =	simm.s32 $0x5;
	s24 =	simm.s32 $0x2  }
0x6: {  	s26 =	simm.s32 $0x6;
	s29 =	simm.s32 $0x3;
	s31 =	simm.s32 $0x7  }
0x7: {  	s17 =	simm.s32 $0x28F0;
	s19 =	simm.s32 $0x8;
	s23 =	simm.s32 $0x0  }
0x8: {  	s0 =	sand.u32 $0x1, s0;
	s1 =	sshll.u32 s12, $0x1;
	s7 =	smul.u32 $0xA000, s12  }
0x9: {  	[smem:$0x7FF] =	sst s3;
	s4 =	sadd.s32 $0x3600, s5;
	s30 =	sshll.u32 s12, $0x6  }
0xa: {  	s1 =	sor.u32 s0, s1;
	s6 =	smul.u32 $0xA0000, s0;
	_ =	strace $0x8000004A  }
0xb: {  	s0 =	ssub.s32 $0x2, s0;
	s12 =	sor.u32 $0x1C09, s30;
	s1 =	smul.u32 $0x500, s1  }
0xc: {  	s8 =	sshrl.u32 s7, $0x3;
	s9 =	sshrl.u32 s0, $0x1;
	s28 =	sadd.s32 s7, s2  }
0xd: {  	s6 =	sadd.s32 s7, s6;
	s8 =	sadd.s32 s8, s5;
	s0 =	ssub.s32 s0, s9  }
0xe: {  	s13 =	sshrl.u32 s28, $0x3;
	s1 =	sadd.s32 s1, s5;
	s6 =	sshrl.u32 s6, $0x3  }
0xf: {  	s7 =	sadd.s32 $0x2B600, s8;
	s9 =	smax.u32 s0, $0x1;
	s0 =	simm.s32 $0x4  }
0x10: {  	s10 =	sadd.s32 s6, s5;
	s5 =	sadd.s32 $0x17600, s1;
	s6 =	sadd.s32 $0x21600, s1  }
0x11: {  	s1 =	simm.s32 $0x1E0;
	s8 =	sadd.s32 $0xB4C00, s10;
	s10 =	simm.s32 $0x9  }
.LBB2_1:
0x12: {  	[tilespmem:s3], [sflag:$0x9] =	stream.linear.gather [hbm4b:s5+s3], $0x2800, $0x38;
	[tilespmem:$0x14000] =	vst v63  }
0x13: {  	_ =	swait.ge [sflag:s10], $0x2800  }
0x14: {  	[sflag:s10] =	ssyncset.done $0x0  }
0x15: {  	[sflag:s10] =	ssyncadd.s32 $0xFFFFD800  }
0x16: {  	[tilespmem:s11], [sflag:$0x9] =	stream.linear.gather [hbm4b:s6+s3], $0x2800, $0x38;
	[tilespmem:$0x14000] =	vst v63  }
0x17: {  	_ =	swait.ge [sflag:s10], $0x2800  }
0x18: {  	[sflag:s10] =	ssyncset.done $0x0  }
0x19: {  	[sflag:s10] =	ssyncadd.s32 $0xFFFFD800  }
0x1a: {  	[spmem:s13], [sflag:s12] =	dma.local [hbm:s7], $0x1400  }
0x1b: {  	_ =	swait.ge [sflag:s10], $0x1400  }
0x1c: {  	[sflag:s10] =	ssyncset.done $0x0  }
0x1d: {  	[sflag:s10] =	ssyncadd.s32 $0xFFFFEC00  }
0x1e: {  	[bflag:$0x0] =	sbarrier.arrive $0xFFFF  }
0x1f: {  	[tilespmem:s15], [sflag:$0x1] =	stream.indirect.gather [hbm4b:s4+s14], $0x40, s3, s14, $0xb8;
	[tilespmem:$0x14000] =	vst v63  }
0x20: {  	_ = 	snop  }
0x21: {  	[tilespmem:s16], [sflag:$0x2] =	stream.indirect.gather [hbm4b:s4+s14], $0x40, s14, s14, $0xb8;
	[tilespmem:$0x14000] =	vst v63  }
0x22: {  	s25 =	simm.s32 $0xA0  }
0x23: {  	[tilespmem:s18], [sflag:$0x3] =	stream.indirect.gather [hbm4b:s4+s14], $0x40, s25, s14, $0xb8;
	[tilespmem:$0x14000] =	vst v63  }
0x24: {  	s30 =	simm.s32 $0xF0  }
0x25: {  	[tilespmem:s20], [sflag:$0x4] =	stream.indirect.gather [hbm4b:s4+s14], $0x40, s30, s14, $0xb8;
	[tilespmem:$0x14000] =	vst v63  }
0x26: {  	_ =	swait.ge [sflag:s21], $0x1400  }
0x27: {  	[sflag:s21] =	ssyncset.done $0x0  }
0x28: {  	[sflag:s21] =	ssyncadd.s32 $0xFFFFEC00  }
0x29: {  	[spmem:s2] =	stream.indirect.scatter.add.f32 [tilespmem:s15], [sflag:$0x5], $0x40, s11, s14, $0xb8;
	[tilespmem:$0x14000] =	vst v63  }
0x2a: {  	_ =	swait.ge [sflag:s22], $0x1400  }
0x2b: {  	[sflag:s22] =	ssyncset.done $0x0  }
0x2c: {  	s30 =	simm.s32 $0x140;
	[sflag:s22] =	ssyncadd.s32 $0xFFFFEC00  }
0x2d: {  	[tilespmem:s15], [sflag:$0x1] =	stream.indirect.gather [hbm4b:s4+s14], $0x40, s30, s14, $0xb8;
	[tilespmem:$0x14000] =	vst v63  }
0x2e: {  	_ =	swait.ge [sflag:s24], $0x1400  }
0x2f: {  	[sflag:s24] =	ssyncset.done $0x0  }
0x30: {  	s30 =	simm.s32 $0x2850;
	[sflag:s24] =	ssyncadd.s32 $0xFFFFEC00  }
0x31: {  	[spmem:s2] =	stream.indirect.scatter.add.f32 [tilespmem:s16], [sflag:$0x6], $0x40, s30, s14, $0xb8;
	[tilespmem:$0x14000] =	vst v63  }
0x32: {  	_ =	swait.ge [sflag:s26], $0x1400  }
0x33: {  	[sflag:s26] =	ssyncset.done $0x0  }
0x34: {  	s30 =	simm.s32 $0x190;
	[sflag:s26] =	ssyncadd.s32 $0xFFFFEC00  }
0x35: {  	[tilespmem:s16], [sflag:$0x2] =	stream.indirect.gather [hbm4b:s4+s14], $0x40, s30, s14, $0xb8;
	[tilespmem:$0x14000] =	vst v63  }
0x36: {  	_ =	swait.ge [sflag:s29], $0x1400  }
0x37: {  	[sflag:s29] =	ssyncset.done $0x0  }
0x38: {  	s30 =	simm.s32 $0x28A0;
	[sflag:s29] =	ssyncadd.s32 $0xFFFFEC00  }
0x39: {  	[spmem:s2] =	stream.indirect.scatter.add.f32 [tilespmem:s18], [sflag:$0x7], $0x40, s30, s14, $0xb8;
	[tilespmem:$0x14000] =	vst v63  }
0x3a: {  	_ =	swait.ge [sflag:s31], $0x1400  }
0x3b: {  	[sflag:s31] =	ssyncset.done $0x0  }
0x3c: {  	[sflag:s31] =	ssyncadd.s32 $0xFFFFEC00  }
0x3d: {  	[tilespmem:s18], [sflag:$0x3] =	stream.indirect.gather [hbm4b:s4+s14], $0x40, s1, s14, $0xb8;
	[tilespmem:$0x14000] =	vst v63  }
0x3e: {  	_ =	swait.ge [sflag:s0], $0x1400  }
0x3f: {  	[sflag:s0] =	ssyncset.done $0x0  }
0x40: {  	[sflag:s0] =	ssyncadd.s32 $0xFFFFEC00  }
0x41: {  	[spmem:s2] =	stream.indirect.scatter.add.f32 [tilespmem:s20], [sflag:$0x8], $0x40, s17, s14, $0xb8;
	[tilespmem:$0x14000] =	vst v63  }
0x42: {  	_ =	swait.ge [sflag:s19], $0x1400  }
0x43: {  	[sflag:s19] =	ssyncset.done $0x0  }
0x44: {  	s30 =	simm.s32 $0x230;
	[sflag:s19] =	ssyncadd.s32 $0xFFFFEC00  }
0x45: {  	[tilespmem:s20], [sflag:$0x4] =	stream.indirect.gather [hbm4b:s4+s14], $0x40, s30, s14, $0xb8;
	[tilespmem:$0x14000] =	vst v63  }
0x46: {  	_ =	swait.ge [sflag:s21], $0x1400  }
0x47: {  	[sflag:s21] =	ssyncset.done $0x0  }
0x48: {  	s30 =	simm.s32 $0x2940;
	[sflag:s21] =	ssyncadd.s32 $0xFFFFEC00  }
0x49: {  	[spmem:s2] =	stream.indirect.scatter.add.f32 [tilespmem:s15], [sflag:$0x5], $0x40, s30, s14, $0xb8;
	[tilespmem:$0x14000] =	vst v63  }
0x4a: {  	_ =	swait.ge [sflag:s22], $0x1400  }
0x4b: {  	[sflag:s22] =	ssyncset.done $0x0  }
0x4c: {  	s30 =	simm.s32 $0x280;
	[sflag:s22] =	ssyncadd.s32 $0xFFFFEC00  }
0x4d: {  	[tilespmem:s15], [sflag:$0x1] =	stream.indirect.gather [hbm4b:s4+s14], $0x40, s30, s14, $0xb8;
	[tilespmem:$0x14000] =	vst v63  }
0x4e: {  	_ =	swait.ge [sflag:s24], $0x1400  }
0x4f: {  	[sflag:s24] =	ssyncset.done $0x0  }
0x50: {  	s30 =	simm.s32 $0x2990;
	[sflag:s24] =	ssyncadd.s32 $0xFFFFEC00  }
0x51: {  	[spmem:s2] =	stream.indirect.scatter.add.f32 [tilespmem:s16], [sflag:$0x6], $0x40, s30, s14, $0xb8;
	[tilespmem:$0x14000] =	vst v63  }
0x52: {  	_ =	swait.ge [sflag:s26], $0x1400  }
0x53: {  	[sflag:s26] =	ssyncset.done $0x0  }
0x54: {  	s30 =	simm.s32 $0x2D0;
	[sflag:s26] =	ssyncadd.s32 $0xFFFFEC00  }
0x55: {  	[tilespmem:s16], [sflag:$0x2] =	stream.indirect.gather [hbm4b:s4+s14], $0x40, s30, s14, $0xb8;
	[tilespmem:$0x14000] =	vst v63  }
0x56: {  	_ =	swait.ge [sflag:s29], $0x1400  }
0x57: {  	[sflag:s29] =	ssyncset.done $0x0  }
0x58: {  	s30 =	simm.s32 $0x29E0;
	[sflag:s29] =	ssyncadd.s32 $0xFFFFEC00  }
0x59: {  	[spmem:s2] =	stream.indirect.scatter.add.f32 [tilespmem:s18], [sflag:$0x7], $0x40, s30, s14, $0xb8;
	[tilespmem:$0x14000] =	vst v63  }
0x5a: {  	_ =	swait.ge [sflag:s31], $0x1400  }
0x5b: {  	[sflag:s31] =	ssyncset.done $0x0  }
0x5c: {  	s30 =	simm.s32 $0x320;
	[sflag:s31] =	ssyncadd.s32 $0xFFFFEC00  }
0x5d: {  	[tilespmem:s18], [sflag:$0x3] =	stream.indirect.gather [hbm4b:s4+s14], $0x40, s30, s14, $0xb8;
	[tilespmem:$0x14000] =	vst v63  }
0x5e: {  	_ =	swait.ge [sflag:s0], $0x1400  }
0x5f: {  	[sflag:s0] =	ssyncset.done $0x0  }
0x60: {  	s28 =	simm.s32 $0x2A30;
	s25 =	simm.s32 $0x500;
	[sflag:s0] =	ssyncadd.s32 $0xFFFFEC00  }
.LBB2_2:
0x61: {  	[spmem:s2] =	stream.indirect.scatter.add.f32 [tilespmem:s20], [sflag:$0x8], $0x40, s28, s14, $0xb8;
	[tilespmem:$0x14000] =	vst v63  }
0x62: {  	s28 =	smov.u32 s25;
	s25 =	sadd.s32 $0x500, s25;
	_ =	swait.ge [sflag:s19], $0x1400  }
0x63: {  	s28 =	sshra.s32 s28, $0x2;
	p0 =	sne.s32 s25, $0x9600;
	[sflag:s19] =	ssyncset.done $0x0  }
0x64: {  	s30 =	sadd.s32 $0x230, s28;
	[sflag:s19] =	ssyncadd.s32 $0xFFFFEC00  }
0x65: {  	[tilespmem:s20], [sflag:$0x4] =	stream.indirect.gather [hbm4b:s4+s14], $0x40, s30, s14, $0xb8;
	[tilespmem:$0x14000] =	vst v63  }
0x66: {  	_ =	swait.ge [sflag:s21], $0x1400  }
0x67: {  	[sflag:s21] =	ssyncset.done $0x0  }
0x68: {  	s30 =	sadd.s32 $0x2940, s28;
	[sflag:s21] =	ssyncadd.s32 $0xFFFFEC00  }
0x69: {  	[spmem:s2] =	stream.indirect.scatter.add.f32 [tilespmem:s15], [sflag:$0x5], $0x40, s30, s14, $0xb8;
	[tilespmem:$0x14000] =	vst v63  }
0x6a: {  	_ =	swait.ge [sflag:s22], $0x1400  }
0x6b: {  	[sflag:s22] =	ssyncset.done $0x0  }
0x6c: {  	s30 =	sadd.s32 $0x280, s28;
	[sflag:s22] =	ssyncadd.s32 $0xFFFFEC00  }
0x6d: {  	[tilespmem:s15], [sflag:$0x1] =	stream.indirect.gather [hbm4b:s4+s14], $0x40, s30, s14, $0xb8;
	[tilespmem:$0x14000] =	vst v63  }
0x6e: {  	_ =	swait.ge [sflag:s24], $0x1400  }
0x6f: {  	[sflag:s24] =	ssyncset.done $0x0  }
0x70: {  	s30 =	sadd.s32 $0x2990, s28;
	[sflag:s24] =	ssyncadd.s32 $0xFFFFEC00  }
0x71: {  	[spmem:s2] =	stream.indirect.scatter.add.f32 [tilespmem:s16], [sflag:$0x6], $0x40, s30, s14, $0xb8;
	[tilespmem:$0x14000] =	vst v63  }
0x72: {  	_ =	swait.ge [sflag:s26], $0x1400  }
0x73: {  	[sflag:s26] =	ssyncset.done $0x0  }
0x74: {  	s30 =	sadd.s32 $0x2D0, s28;
	[sflag:s26] =	ssyncadd.s32 $0xFFFFEC00  }
0x75: {  	[tilespmem:s16], [sflag:$0x2] =	stream.indirect.gather [hbm4b:s4+s14], $0x40, s30, s14, $0xb8;
	[tilespmem:$0x14000] =	vst v63  }
0x76: {  	_ =	swait.ge [sflag:s29], $0x1400  }
0x77: {  	[sflag:s29] =	ssyncset.done $0x0  }
0x78: {  	s30 =	sadd.s32 $0x29E0, s28;
	[sflag:s29] =	ssyncadd.s32 $0xFFFFEC00  }
0x79: {  	[spmem:s2] =	stream.indirect.scatter.add.f32 [tilespmem:s18], [sflag:$0x7], $0x40, s30, s14, $0xb8;
	[tilespmem:$0x14000] =	vst v63  }
0x7a: {  	_ =	swait.ge [sflag:s31], $0x1400  }
0x7b: {  	[sflag:s31] =	ssyncset.done $0x0  }
.Ltmp0:
0x7c: {  	s30 =	sadd.s32 $0x320, s28;
	[sflag:s31] =	ssyncadd.s32 $0xFFFFEC00;
	(pc) =	sbr.rel @p0 .LBB2_2-.Ltmp0, $4  }
0x7d: {  	[tilespmem:s18], [sflag:$0x3] =	stream.indirect.gather [hbm4b:s4+s14], $0x40, s30, s14, $0xb8;
	[tilespmem:$0x14000] =	vst v63  }
0x7e: {  	_ =	swait.ge [sflag:s0], $0x1400  }
0x7f: {  	[sflag:s0] =	ssyncset.done $0x0  }
0x80: {  	s28 =	sadd.s32 $0x2A30, s28;
	[sflag:s0] =	ssyncadd.s32 $0xFFFFEC00  }
0x81: {  	[spmem:s2] =	stream.indirect.scatter.add.f32 [tilespmem:s20], [sflag:$0x8], $0x40, s28, s14, $0xb8;
	[tilespmem:$0x14000] =	vst v63  }
0x82: {  	_ =	swait.ge [sflag:s19], $0x1400  }
0x83: {  	s25 =	sshra.s32 s25, $0x2;
	[sflag:s19] =	ssyncset.done $0x0  }
0x84: {  	s30 =	sadd.s32 $0x230, s25;
	[sflag:s19] =	ssyncadd.s32 $0xFFFFEC00  }
0x85: {  	[tilespmem:s20], [sflag:$0x4] =	stream.indirect.gather [hbm4b:s4+s14], $0x40, s30, s14, $0xb8;
	[tilespmem:$0x14000] =	vst v63  }
0x86: {  	_ =	swait.ge [sflag:s21], $0x1400  }
0x87: {  	[sflag:s21] =	ssyncset.done $0x0  }
0x88: {  	s30 =	sadd.s32 $0x2940, s25;
	[sflag:s21] =	ssyncadd.s32 $0xFFFFEC00  }
0x89: {  	[spmem:s2] =	stream.indirect.scatter.add.f32 [tilespmem:s15], [sflag:$0x5], $0x40, s30, s14, $0xb8;
	[tilespmem:$0x14000] =	vst v63  }
0x8a: {  	_ =	swait.ge [sflag:s24], $0x1400  }
0x8b: {  	[sflag:s24] =	ssyncset.done $0x0  }
0x8c: {  	s30 =	sadd.s32 $0x2990, s25;
	[sflag:s24] =	ssyncadd.s32 $0xFFFFEC00  }
0x8d: {  	[spmem:s2] =	stream.indirect.scatter.add.f32 [tilespmem:s16], [sflag:$0x6], $0x40, s30, s14, $0xb8;
	[tilespmem:$0x14000] =	vst v63  }
0x8e: {  	_ =	swait.ge [sflag:s29], $0x1400  }
0x8f: {  	[sflag:s29] =	ssyncset.done $0x0  }
0x90: {  	s30 =	sadd.s32 $0x29E0, s25;
	[sflag:s29] =	ssyncadd.s32 $0xFFFFEC00  }
0x91: {  	[spmem:s2] =	stream.indirect.scatter.add.f32 [tilespmem:s18], [sflag:$0x7], $0x40, s30, s14, $0xb8;
	[tilespmem:$0x14000] =	vst v63  }
0x92: {  	_ =	swait.ge [sflag:s0], $0x1400  }
0x93: {  	[sflag:s0] =	ssyncset.done $0x0  }
0x94: {  	s25 =	sadd.s32 $0x2A30, s25;
	[sflag:s0] =	ssyncadd.s32 $0xFFFFEC00  }
0x95: {  	[spmem:s2] =	stream.indirect.scatter.add.f32 [tilespmem:s20], [sflag:$0x8], $0x40, s25, s14, $0xb8;
	[tilespmem:$0x14000] =	vst v63  }
0x96: {  	_ =	swait.ge [sflag:s22], $0x1400  }
0x97: {  	[sflag:s22] =	ssyncset.done $0x0  }
0x98: {  	[sflag:s22] =	ssyncadd.s32 $0xFFFFEC00  }
0x99: {  	_ =	swait.ge [sflag:s26], $0x1400  }
0x9a: {  	[sflag:s26] =	ssyncset.done $0x0  }
0x9b: {  	[sflag:s26] =	ssyncadd.s32 $0xFFFFEC00  }
0x9c: {  	_ =	swait.ge [sflag:s31], $0x1400  }
0x9d: {  	[sflag:s31] =	ssyncset.done $0x0  }
0x9e: {  	[sflag:s31] =	ssyncadd.s32 $0xFFFFEC00  }
0x9f: {  	_ =	swait.ge [sflag:s19], $0x1400  }
0xa0: {  	s23 =	sadd.s32 $0x1, s23;
	[sflag:s19] =	ssyncset.done $0x0  }
0xa1: {  	p0 =	sne.s32 s23, s9;
	[sflag:s19] =	ssyncadd.s32 $0xFFFFEC00  }
.Ltmp1:
0xa2: {  	[bflag:$0x0] =	sbarrier.arrive $0xFFFF;
	(pc) =	sbr.rel @p0 .LBB2_1-.Ltmp1, $4  }
0xa3: {  	[hbm:s8], [sflag:s12] =	dma.local [spmem:s13], $0x1400  }
0xa4: {  	_ =	swait.ge [sflag:s10], $0x1400  }
0xa5: {  	[sflag:s10] =	ssyncset.done $0x0  }
0xa6: {  	[sflag:s10] =	ssyncadd.s32 $0xFFFFEC00  }
0xa7: {  	_ =	sfence.sel $0x180000  }
0xa8: {  	[bflag:$0x0] =	sbarrier.arrive $0xFFFF  }
0xa9: {  	_ =	strace $0x9000004A  }
0xaa: {  	s0 =	stileid.u32;
	[bflag:$0x2] =	sbarrier.arrive $0xFFFF  }
0xab: {  	p0 =	sne.s32 s0, $0x0;
	s0 =	rddreg [dreg:$0x2]  }
0xac: {  	s0 =	sadd.s32 @!p0 $0x100000, s0  }
0xad: {  	[sflag:s0] =	ssyncadd.tile.s32 @!p0 $0x1;
	_ =	shalt  }
.Lfunc_end2:
_tile_overlayer_lowered:
.L_overlay_start_2:
0xae: {  	(tag) =	ssettag $0x2  }
0xaf: {  	s0 =	rddreg [dreg:$0x0];
	s2 =	stileid.u32  }
0xb0: {  	s1 =	rddreg [dreg:$0x1];
	p0 =	sne.s32 s2, $0x0  }
0xb1: {  	s3 =	rddreg [dreg:$0x2];
	[bflag:$0x3] =	sbarrier.arrive $0xFFFF;
	s2 =	simm.s32 @!p0 $0x1C09  }
0xb2: {  	[timem:s3], [sflag:s2] =	dma.local @!p0 [hbm:s0], s1  }
0xb3: {  	s0 =	simm.s32 @!p0 $0x9  }
0xb4: {  	_ =	swait.ge @!p0 [sflag:s0], s1  }
0xb5: {  	s1 =	ssub.s32 @!p0 $0x0, s1;
	[sflag:s0] =	ssyncset.done @!p0 $0x0  }
0xb6: {  	[sflag:s0] =	ssyncadd.s32 @!p0 s1  }
0xb7: {  	[bflag:$0x3] =	sbarrier.arrive $0xFFFF  }
0xb8: {  	_ =	shalt  }

// kernel: kernel.8.cloned.1.call-start
scs
__scs_entry_jumppad:
0x0: {  	(pc) =	sbr.rel $0x88, $3  }
0x1: {  	(tag) =	ssettag $0x0;
	lr =	simm.s32 $0x1  }
0x2: {  	[smem:$0x3F8E] =	sst lr;
	_ =	strace $0xD0000000  }
0x3: {  	_ = 	snop  }
0x4: {  	_ = 	snop  }
0x5: {  	_ = 	snop  }
0x6: {  	_ = 	snop  }
0x7: {  	_ = 	snop  }
__scs_overlays_trampoline_lowered:
0x8: {  	[smem:$0x3F9D] =	sst s0  }
0x9: {  	[smem:$0x3F9E] =	sst s1  }
0xa: {  	[smem:$0x3F9F] =	sst s2  }
0xb: {  	[smem:$0x3FA0] =	sst s3  }
0xc: {  	[smem:$0x3FA1] =	sst s4  }
0xd: {  	[smem:$0x3FA2] =	sst s5  }
0xe: {  	[smem:$0x3FA3] =	sst s6  }
0xf: {  	[smem:$0x3FA4] =	sst s7  }
0x10: {  	[smem:$0x3FA5] =	sst s8  }
0x11: {  	[smem:$0x3FA6] =	sst s9;
	s0 =	simm.s32 @!p0 $0x0  }
0x12: {  	s1 =	sld [smem:$0x3F8C];
	s0 =	simm.s32 @p0 $0x1  }
0x13: {  	[smem:$0x3FA7] =	sst s0;
	s0 =	simm.s32 @!p1 $0x0  }
0x14: {  	s2 =	sld [smem:$0x3F8B];
	s0 =	simm.s32 @p1 $0x1  }
0x15: {  	[smem:$0x3FA8] =	sst s0;
	s0 =	simm.s32 @!p2 $0x0  }
0x16: {  	s3 =	sld [smem:$0x3FDB];
	s0 =	simm.s32 @p2 $0x1  }
0x17: {  	s4 =	simm.s32 $0x1BF5;
	[smem:$0x3FAA] =	sst s0  }
0x18: {  	s0 =	sld [smem:$0x3F8D];
	_ =	swait.ge [sflag:s4], $0x0  }
0x19: {  	s7 =	sld [smem:$0x3F8E]  }
0x1a: {  	s8 =	sadd.s32 $0xFFFFE003, lr  }
0x1b: {  	s9 =	sadd.s32 $0xFFFFFEF7, lr;
	s5 =	simm.s32 $0xFFFFFFFF;
	p2 =	slt.u32 s8, $0xFFFFF086  }
0x1c: {  	p1 =	slt.u32 s9, $0xF7A;
	s5 =	simm.s32 @!p2 $0x0  }
0x1d: {  	s5 =	simm.s32 @p1 $0x1;
	p0 =	seq.s32 s7, s2  }
0x1e: {  	s7 =	smul.u32 @!p0 $0xF7A, s2;
	p2 =	seq.s32 @!p0 s5, $0x0  }
0x1f: {  	s9 =	smul.u32 $0xF7A, s1;
	s8 =	simm.s32 @!p0 $0x1BF5;
	p2 =	por !p2, p0  }
0x20: {  	[sflag:s8] =	ssyncset.s32 @!p0 $0xFFFFF086;
	s6 =	sadd.s32 @!p0 s3, s7;
	s7 =	simm.s32 @!p0 $0x108  }
0x21: {  	s3 =	sadd.s32 s3, s9;
	s6 =	sadd.s32 @!p0 $0x88, s6;
	s7 =	simm.s32 @p2 $0x1082  }
0x22: {  	[simem:s7], [sflag:s8] =	dma.local @!p0 [hbm:s6], $0xF7A  }
0x23: {  	s9 =	sor.u32 $0xD0000000, s2;
	s6 =	simm.s32 $0x108;
	_ =	swait.ge @!p0 [sflag:s8], $0x0  }
0x24: {  	s3 =	sadd.s32 $0x88, s3;
	s6 =	simm.s32 @!p1 $0x1082;
	[sflag:s4] =	ssyncset.s32 $0xFFFFF086  }
0x25: {  	[simem:s6], [sflag:s4] =	dma.local [hbm:s3], $0xF7A  }
0x26: {  	[smem:$0x3F8E] =	sst s1;
	(tag) =	ssettag s2;
	_ =	strace s9  }
0x27: {  	s1 =	sld [smem:$0x3F9E]  }
0x28: {  	s2 =	sld [smem:$0x3F9F]  }
0x29: {  	s4 =	sld [smem:$0x3FA1]  }
0x2a: {  	p0 =	seq.s32 s5, $0x0;
	s5 =	sld [smem:$0x3FA2]  }
0x2b: {  	s6 =	sld [smem:$0x3FA3]  }
0x2c: {  	s7 =	sld [smem:$0x3FA4]  }
0x2d: {  	s3 =	simm.s32 $0x108;
	s8 =	sld [smem:$0x3FA5]  }
0x2e: {  	s3 =	simm.s32 @!p0 $0x1082;
	s9 =	sld [smem:$0x3FA6]  }
0x2f: {  	lr =	sadd.s32 s0, s3;
	s0 =	sld [smem:$0x3F9D]  }
0x30: {  	s3 =	sld [smem:$0x3FA0]  }
0x31: {  	[smem:$0x3FA9] =	sst s10  }
0x32: {  	s10 =	sld [smem:$0x3FA7];
	_ =	sdelay $0x3  }
0x33: {  	p0 =	seq.s32 s10, $0x1;
	s10 =	sld [smem:$0x3FA9];
	_ =	sdelay $0x3  }
0x34: {  	[smem:$0x3FA9] =	sst s10  }
0x35: {  	s10 =	sld [smem:$0x3FA8];
	_ =	sdelay $0x3  }
0x36: {  	p1 =	seq.s32 s10, $0x1;
	s10 =	sld [smem:$0x3FA9];
	_ =	sdelay $0x3  }
0x37: {  	[smem:$0x3FA9] =	sst s10  }
0x38: {  	s10 =	sld [smem:$0x3FAA]  }
0x39: {  	_ = 	snop;
	(pc) =	sbr.ind lr, $3  }
0x3a: {  	_ = 	snop  }
0x3b: {  	_ = 	snop  }
0x3c: {  	p2 =	seq.s32 s10, $0x1;
	s10 =	sld [smem:$0x3FA9]  }
0x3d: {  	_ =	shalt  }
0x3e: {  	_ =	shalt  }
0x3f: {  	_ =	shalt  }
0x40: {  	_ =	shalt  }
0x41: {  	_ =	shalt  }
0x42: {  	_ =	shalt  }
0x43: {  	_ =	shalt  }
0x44: {  	_ =	shalt  }
0x45: {  	_ =	shalt  }
0x46: {  	_ =	shalt  }
0x47: {  	_ =	shalt  }
0x48: {  	_ =	shalt  }
0x49: {  	_ =	shalt  }
0x4a: {  	_ =	shalt  }
0x4b: {  	_ =	shalt  }
0x4c: {  	_ =	shalt  }
0x4d: {  	_ =	shalt  }
0x4e: {  	_ =	shalt  }
0x4f: {  	_ =	shalt  }
0x50: {  	_ =	shalt  }
0x51: {  	_ =	shalt  }
0x52: {  	_ =	shalt  }
0x53: {  	_ =	shalt  }
0x54: {  	_ =	shalt  }
0x55: {  	_ =	shalt  }
0x56: {  	_ =	shalt  }
0x57: {  	_ =	shalt  }
0x58: {  	_ =	shalt  }
0x59: {  	_ =	shalt  }
0x5a: {  	_ =	shalt  }
0x5b: {  	_ =	shalt  }
0x5c: {  	_ =	shalt  }
0x5d: {  	_ =	shalt  }
0x5e: {  	_ =	shalt  }
0x5f: {  	_ =	shalt  }
0x60: {  	_ =	shalt  }
0x61: {  	_ =	shalt  }
0x62: {  	_ =	shalt  }
0x63: {  	_ =	shalt  }
0x64: {  	_ =	shalt  }
0x65: {  	_ =	shalt  }
0x66: {  	_ =	shalt  }
0x67: {  	_ =	shalt  }
0x68: {  	_ =	shalt  }
0x69: {  	_ =	shalt  }
0x6a: {  	_ =	shalt  }
0x6b: {  	_ =	shalt  }
0x6c: {  	_ =	shalt  }
0x6d: {  	_ =	shalt  }
0x6e: {  	_ =	shalt  }
0x6f: {  	_ =	shalt  }
0x70: {  	_ =	shalt  }
0x71: {  	_ =	shalt  }
0x72: {  	_ =	shalt  }
0x73: {  	_ =	shalt  }
0x74: {  	_ =	shalt  }
0x75: {  	_ =	shalt  }
0x76: {  	_ =	shalt  }
0x77: {  	_ =	shalt  }
0x78: {  	_ =	shalt  }
0x79: {  	_ =	shalt  }
0x7a: {  	_ =	shalt  }
0x7b: {  	_ =	shalt  }
0x7c: {  	_ =	shalt  }
0x7d: {  	_ =	shalt  }
0x7e: {  	_ =	shalt  }
0x7f: {  	_ =	shalt  }
0x80: {  	_ =	shalt  }
0x81: {  	_ =	shalt  }
0x82: {  	_ =	shalt  }
0x83: {  	_ =	shalt  }
0x84: {  	_ =	shalt  }
0x85: {  	_ =	shalt  }
0x86: {  	_ =	shalt  }
0x87: {  	_ =	shalt  }
.Lfunc_end0:
.L_simem_size_0:
called_computation_lowered:
.L_overlay_start_0:
0x88: {  	s2 =	sld [smem:$0x3FD9]  }
0x89: {  	s3 =	sld [smem:$0x3FFE];
	_ =	sdelay $0x1  }
0x8a: {  	s1 =	srdreg.scid  }
0x8b: {  	s0 =	sand.u32 $0x1, s1  }
0x8c: {  	s16 =	sshll.u32 s0, $0xA;
	s2 =	sadd.s32 s3, s2  }
0x8d: {  	s2 =	sadd.s32 s2, s16  }
0x8e: {  	[smem:$0x3FB5] =	sst s2  }
0x8f: {  	_ = 	snop  }
0x90: {  	(tm) =	ssettm $0x1  }
0x91: {  	s17 =	sld [smem:$0x3FFB];
	_ =	sdelay $0x3  }
0x92: {  	_ =	strace s17  }
0x93: {  	s2 =	sld [smem:$0x3FFC];
	_ =	sdelay $0x3  }
0x94: {  	_ =	strace s2  }
0x95: {  	s2 =	sld [smem:$0x3FFD];
	_ =	sdelay $0x3  }
0x96: {  	_ =	strace s2  }
0x97: {  	_ =	strace $0x8FFFFFFF  }
0x98: {  	s18 =	sld [smem:$0x3FDB];
	_ =	sdelay $0x1  }
0x99: {  	s19 =	simm.s32 $_scs_section_size  }
0x9a: {  	s4 =	simm.s32 $_size__tile_overlayer_lowered;
	s5 =	simm.s32 $_tile_overlayer_lowered  }
0x9b: {  	s22 =	simm.s32 $0x1BFF;
	s21 =	sshll.u32 s5, $0x1;
	s2 =	sadd.s32 s19, s18  }
0x9c: {  	s6 =	simm.s32 $0x0;
	s20 =	sshll.u32 s4, $0x1;
	s4 =	sadd.s32 s21, s2  }
0x9d: {  	[timem:s6], [sflag:s22] =	dma.local [hbm:s4], s20  }
0x9e: {  	_ =	swait.ge [sflag:s22], s20  }
0x9f: {  	s3 =	ssub.s32 $0x0, s20;
	[sflag:s22] =	ssyncset.done $0x0  }
0xa0: {  	[sflag:s22] =	ssyncadd.s32 s3;
	_ =	sdelay $0x1  }
0xa1: {  	s23 =	simm.s32 $0x1B8B  }
0xa2: {  	_ =	swait.ge [sflag:s23], $0x1  }
0xa3: {  	[sflag:s23] =	ssyncset.done $0x0  }
0xa4: {  	s25 =	simm.s32 $0x1B8E;
	s24 =	sld [smem:$0x3FFE];
	[sflag:s23] =	ssyncadd.s32 $0xFFFFFFFF  }
0xa5: {  	s26 =	simm.s32 $execute0_lowered;
	[smem:$0x3FD2] =	sst s25  }
0xa6: {  	s4 =	sshll.u32 s26, $0x1;
	_ =	strace $0x80000046;
	[dreg:$0x1] =	wrdreg $0xFFFFFFFF  }
0xa7: {  	s28 =	simm.s32 $_size_execute0_lowered;
	s2 =	sadd.s32 s2, s4;
	[dreg:$0x0] =	wrdreg $0x0  }
0xa8: {  	s4 =	sshll.u32 s28, $0x1;
	[dreg:$0x2] =	wrdreg s2  }
0xa9: {  	[dreg:$0x3] =	wrdreg s4  }
0xaa: {  	[dreg:$0x4] =	wrdreg $0xC0  }
0xab: {  	_ =	task [dreg:s6], $0x5FFFF  }
0xac: {  	[dreg:$0x1] =	wrdreg $0xFFFFFFFF  }
0xad: {  	[dreg:$0x0] =	wrdreg $0x60  }
0xae: {  	[dreg:$0x2] =	wrdreg s24  }
0xaf: {  	[dreg:$0x3] =	wrdreg $0xA5000  }
0xb0: {  	[dreg:$0x4] =	wrdreg $0x145000  }
0xb1: {  	[dreg:$0x5] =	wrdreg $0x9  }
0xb2: {  	_ =	task.clear_ibuf [dreg:s6], $0x6FFFF;
	_ =	strace $0x90000046  }
0xb3: {  	s29 =	simm.s32 $0x9;
	_ =	strace $0x80000048  }
0xb4: {  	_ =	swait.ge [sflag:s29], $0x1  }
0xb5: {  	[sflag:s29] =	ssyncadd.s32 $0xFFFFFFFF  }
0xb6: {  	_ =	strace $0x90000048  }
0xb7: {  	_ =	sfence  }
0xb8: {  	s30 =	sld [smem:$0x0];
	_ =	sdelay $0x2  }
0xb9: {  	s31 =	sshll.u32 s1, $0xD;
	s1 =	sshrl.u32 s1, $0x2  }
0xba: {  	s3 =	sand.u32 $0x4000, s31;
	s1 =	sadd.s32 s1, s30  }
0xbb: {  	s0 =	sor.u32 s3, s0;
	s1 =	sshll.u32 s1, $0x11  }
0xbc: {  	s0 =	sor.u32 s1, s0  }
0xbd: {  	s0 =	sadd.s32 $0x8F2B, s0  }
0xbe: {  	[sflag:s0] =	ssyncadd.remote.s32 $0x1  }
0xbf: {  	_ =	sfence.sel $0xFFFF  }
0xc0: {  	[dreg:$0x0] =	wrdreg $0xFFFFFFFF;
	(pc) =	sbr.abs _section_cstart, $3  }
0xc1: {  	[dreg:$0x1] =	wrdreg $0xFFFFFFFF  }
0xc2: {  	_ =	task.clear_ibuf [dreg:s6], $0x2FFFF;
	_ =	strace $0x9FFFFFFF  }
0xc3: {  	(tm) =	ssettm $0x7FFFFFFF  }
tec
execute0_lowered:
.L_overlay_start_1:
0x0: {  	(tag) =	ssettag $0x1  }
0x1: {  	s0 =	rddreg [dreg:$0x0]  }
0x2: {  	s1 =	srdreg.scid;
	s2 =	rddreg [dreg:$0x1]  }
0x3: {  	s16 =	stileid.u32;
	s3 =	rddreg [dreg:$0x2]  }
0x4: {  	s14 =	simm.s32 $0xD;
	s15 =	simm.s32 $0x2800;
	s28 =	simm.s32 $0x1  }
0x5: {  	s29 =	simm.s32 $0x5;
	s30 =	simm.s32 $0x9;
	s31 =	simm.s32 $0x3  }
0x6: {  	s1 =	sand.u32 $0x1, s1;
	s4 =	sshll.u32 s16, $0x1;
	s7 =	smul.u32 $0xA000, s16  }
0x7: {  	s8 =	smul.u32 $0x2800, s16;
	s13 =	sadd.s32 $0x44600, s0;
	s26 =	sshll.u32 s16, $0x6  }
0x8: {  	s5 =	sor.u32 s1, s4;
	s4 =	simm.s32 $0x0;
	s9 =	smul.u32 $0xA0000, s1  }
0x9: {  	s12 =	smul.u32 $0x28000, s1;
	s1 =	ssub.s32 $0x2, s1;
	s16 =	sor.u32 $0x1C0D, s26  }
0xa: {  	s26 =	simm.s32 $0x8C00;
	s6 =	smul.u32 $0x500, s5;
	[smem:$0x7FF] =	sst s4  }
0xb: {  	s5 =	sadd.s32 $0x3600, s0;
	s10 =	sshrl.u32 s7, $0x3;
	s11 =	sshrl.u32 s8, $0x3  }
0xc: {  	s18 =	sshrl.u32 s1, $0x1;
	s20 =	sadd.s32 s7, s2;
	s22 =	sadd.s32 s8, s3  }
0xd: {  	_ =	strace $0x80000047;
	s10 =	sadd.s32 s10, s0;
	s11 =	sadd.s32 s11, s0  }
0xe: {  	[dreg:$0x4] =	wrdreg s13;
	s9 =	sadd.s32 s7, s9;
	s12 =	sadd.s32 s8, s12  }
0xf: {  	s1 =	ssub.s32 s1, s18;
	s17 =	sshrl.u32 s20, $0x3;
	s18 =	sshrl.u32 s22, $0x3  }
0x10: {  	s20 =	simm.s32 $0x50;
	s22 =	simm.s32 $0x6400;
	s7 =	simm.s32 $0x7  }
0x11: {  	s8 =	simm.s32 $0xB;
	s13 =	simm.s32 $0x0;
	s6 =	sadd.s32 s6, s0  }
0x12: {  	s9 =	sshrl.u32 s9, $0x3;
	s12 =	sshrl.u32 s12, $0x3;
	s21 =	sadd.s32 $0x2B600, s10  }
0x13: {  	s23 =	sadd.s32 $0x3F600, s11;
	s25 =	smax.u32 s1, $0x1;
	s1 =	simm.s32 $0x2  }
0x14: {  	s11 =	simm.s32 $0x8;
	s9 =	sadd.s32 s9, s0;
	[dreg:$0x7] =	wrdreg s21  }
0x15: {  	s0 =	sadd.s32 s12, s0;
	s19 =	sadd.s32 $0x17600, s6;
	[dreg:$0x8] =	wrdreg s23  }
0x16: {  	s6 =	sadd.s32 $0x21600, s6;
	[dreg:$0xb] =	wrdreg s25;
	s21 =	simm.s32 $0x5000  }
0x17: {  	s23 =	simm.s32 $0x6;
	s25 =	simm.s32 $0xA;
	[dreg:$0x5] =	wrdreg s19  }
0x18: {  	s12 =	simm.s32 $0xC;
	[dreg:$0x6] =	wrdreg s6;
	s24 =	sadd.s32 $0x44800, s9  }
0x19: {  	s0 =	sadd.s32 $0x6C800, s0;
	s19 =	simm.s32 $0xA000;
	[dreg:$0x9] =	wrdreg s24  }
0x1a: {  	s9 =	simm.s32 $0x4;
	[dreg:$0xa] =	wrdreg s0;
	s24 =	simm.s32 $0x7800  }
.LBB2_1:
0x1b: {  	s0 =	rddreg [dreg:$0x5]  }
0x1c: {  	[tilespmem:s4], [sflag:$0xD] =	stream.linear.gather [hbm4b:s0+s4], $0x2800, $0x38;
	[tilespmem:$0x16D00] =	vst v63  }
0x1d: {  	_ =	swait.ge [sflag:s14], $0x2800  }
0x1e: {  	[sflag:s14] =	ssyncset.done $0x0  }
0x1f: {  	s10 =	rddreg [dreg:$0x6];
	[sflag:s14] =	ssyncadd.s32 $0xFFFFD800  }
0x20: {  	[tilespmem:s15], [sflag:$0xD] =	stream.linear.gather [hbm4b:s10+s4], $0x2800, $0x38;
	[tilespmem:$0x16D00] =	vst v63  }
0x21: {  	_ =	swait.ge [sflag:s14], $0x2800  }
0x22: {  	[sflag:s14] =	ssyncset.done $0x0  }
0x23: {  	s6 =	rddreg [dreg:$0x7];
	[sflag:s14] =	ssyncadd.s32 $0xFFFFD800  }
0x24: {  	[spmem:s17], [sflag:s16] =	dma.local [hbm:s6], $0x1400  }
0x25: {  	_ =	swait.ge [sflag:s14], $0x1400  }
0x26: {  	[sflag:s14] =	ssyncset.done $0x0  }
0x27: {  	s10 =	rddreg [dreg:$0x8];
	[sflag:s14] =	ssyncadd.s32 $0xFFFFEC00  }
0x28: {  	[spmem:s18], [sflag:s16] =	dma.local [hbm:s10], $0x500  }
0x29: {  	_ =	swait.ge [sflag:s14], $0x500  }
0x2a: {  	[sflag:s14] =	ssyncset.done $0x0  }
0x2b: {  	s6 =	rddreg [dreg:$0x4];
	[sflag:s14] =	ssyncadd.s32 $0xFFFFFB00  }
0x2c: {  	[tilespmem:s19], [sflag:$0xD] =	stream.linear.gather [hbm4b:s6+s4], $0x500, $0x38;
	[tilespmem:$0x16D00] =	vst v63  }
0x2d: {  	_ =	swait.ge [sflag:s14], $0x500  }
0x2e: {  	[sflag:s14] =	ssyncset.done $0x0  }
0x2f: {  	[sflag:s14] =	ssyncadd.s32 $0xFFFFFB00  }
0x30: {  	[bflag:$0x0] =	sbarrier.arrive $0xFFFF  }
0x31: {  	[tilespmem:s21], [sflag:$0x1] =	stream.indirect.gather [hbm4b:s5+s20], $0x40, s4, s20, $0xb8;
	[tilespmem:$0x16D00] =	vst v63  }
0x32: {  	_ = 	snop  }
0x33: {  	[tilespmem:s22], [sflag:$0x2] =	stream.indirect.gather [hbm4b:s5+s20], $0x40, s20, s20, $0xb8;
	[tilespmem:$0x16D00] =	vst v63  }
0x34: {  	s10 =	simm.s32 $0xA0  }
0x35: {  	[tilespmem:s24], [sflag:$0x3] =	stream.indirect.gather [hbm4b:s5+s20], $0x40, s10, s20, $0xb8;
	[tilespmem:$0x16D00] =	vst v63  }
0x36: {  	s6 =	simm.s32 $0xF0  }
0x37: {  	[tilespmem:s26], [sflag:$0x4] =	stream.indirect.gather [hbm4b:s5+s20], $0x40, s6, s20, $0xb8;
	[tilespmem:$0x16D00] =	vst v63  }
0x38: {  	_ =	swait.ge [sflag:s28], $0x1400  }
0x39: {  	[sflag:s28] =	ssyncset.done $0x0  }
0x3a: {  	[sflag:s28] =	ssyncadd.s32 $0xFFFFEC00  }
0x3b: {  	[spmem:s2] =	stream.indirect.scatter.add.f32 [tilespmem:s21], [sflag:$0x5], $0x40, s15, s20, $0xb8;
	[tilespmem:$0x16D00] =	vst v63  }
0x3c: {  	_ = 	snop  }
0x3d: {  	[spmem:s3] =	stream.indirect.scatter.add.f32 [tilespmem:s19], [sflag:$0x9], $0x10, s15, s20, $0xb8;
	[tilespmem:$0x16D00] =	vst v63  }
0x3e: {  	_ =	swait.ge [sflag:s29], $0x1400  }
0x3f: {  	[sflag:s29] =	ssyncset.done $0x0  }
0x40: {  	[sflag:s29] =	ssyncadd.s32 $0xFFFFEC00  }
0x41: {  	_ =	swait.ge [sflag:s30], $0x500  }
0x42: {  	[sflag:s30] =	ssyncset.done $0x0  }
0x43: {  	s10 =	simm.s32 $0x140;
	[sflag:s30] =	ssyncadd.s32 $0xFFFFFB00  }
0x44: {  	[tilespmem:s21], [sflag:$0x1] =	stream.indirect.gather [hbm4b:s5+s20], $0x40, s10, s20, $0xb8;
	[tilespmem:$0x16D00] =	vst v63  }
0x45: {  	_ =	swait.ge [sflag:s1], $0x1400  }
0x46: {  	[sflag:s1] =	ssyncset.done $0x0  }
0x47: {  	s6 =	simm.s32 $0x2850;
	[sflag:s1] =	ssyncadd.s32 $0xFFFFEC00  }
0x48: {  	[spmem:s2] =	stream.indirect.scatter.add.f32 [tilespmem:s22], [sflag:$0x6], $0x40, s6, s20, $0xb8;
	[tilespmem:$0x16D00] =	vst v63  }
0x49: {  	_ = 	snop  }
0x4a: {  	[spmem:s3] =	stream.indirect.scatter.add.f32 [tilespmem:s19], [sflag:$0xA], $0x10, s6, s20, $0xb8;
	[tilespmem:$0x16D00] =	vst v63  }
0x4b: {  	_ =	swait.ge [sflag:s23], $0x1400  }
0x4c: {  	[sflag:s23] =	ssyncset.done $0x0  }
0x4d: {  	[sflag:s23] =	ssyncadd.s32 $0xFFFFEC00  }
0x4e: {  	_ =	swait.ge [sflag:s25], $0x500  }
0x4f: {  	[sflag:s25] =	ssyncset.done $0x0  }
0x50: {  	s10 =	simm.s32 $0x190;
	[sflag:s25] =	ssyncadd.s32 $0xFFFFFB00  }
0x51: {  	[tilespmem:s22], [sflag:$0x2] =	stream.indirect.gather [hbm4b:s5+s20], $0x40, s10, s20, $0xb8;
	[tilespmem:$0x16D00] =	vst v63  }
0x52: {  	_ =	swait.ge [sflag:s31], $0x1400  }
0x53: {  	[sflag:s31] =	ssyncset.done $0x0  }
0x54: {  	s6 =	simm.s32 $0x28A0;
	[sflag:s31] =	ssyncadd.s32 $0xFFFFEC00  }
0x55: {  	[spmem:s2] =	stream.indirect.scatter.add.f32 [tilespmem:s24], [sflag:$0x7], $0x40, s6, s20, $0xb8;
	[tilespmem:$0x16D00] =	vst v63  }
0x56: {  	_ = 	snop  }
0x57: {  	[spmem:s3] =	stream.indirect.scatter.add.f32 [tilespmem:s19], [sflag:$0xB], $0x10, s6, s20, $0xb8;
	[tilespmem:$0x16D00] =	vst v63  }
0x58: {  	_ =	swait.ge [sflag:s7], $0x1400  }
0x59: {  	[sflag:s7] =	ssyncset.done $0x0  }
0x5a: {  	[sflag:s7] =	ssyncadd.s32 $0xFFFFEC00  }
0x5b: {  	_ =	swait.ge [sflag:s8], $0x500  }
0x5c: {  	[sflag:s8] =	ssyncset.done $0x0  }
0x5d: {  	s10 =	simm.s32 $0x1E0;
	[sflag:s8] =	ssyncadd.s32 $0xFFFFFB00  }
0x5e: {  	[tilespmem:s24], [sflag:$0x3] =	stream.indirect.gather [hbm4b:s5+s20], $0x40, s10, s20, $0xb8;
	[tilespmem:$0x16D00] =	vst v63  }
0x5f: {  	_ =	swait.ge [sflag:s9], $0x1400  }
0x60: {  	[sflag:s9] =	ssyncset.done $0x0  }
0x61: {  	s6 =	simm.s32 $0x28F0;
	[sflag:s9] =	ssyncadd.s32 $0xFFFFEC00  }
0x62: {  	[spmem:s2] =	stream.indirect.scatter.add.f32 [tilespmem:s26], [sflag:$0x8], $0x40, s6, s20, $0xb8;
	[tilespmem:$0x16D00] =	vst v63  }
0x63: {  	_ = 	snop  }
0x64: {  	[spmem:s3] =	stream.indirect.scatter.add.f32 [tilespmem:s19], [sflag:$0xC], $0x10, s6, s20, $0xb8;
	[tilespmem:$0x16D00] =	vst v63  }
0x65: {  	_ =	swait.ge [sflag:s11], $0x1400  }
0x66: {  	[sflag:s11] =	ssyncset.done $0x0  }
0x67: {  	[sflag:s11] =	ssyncadd.s32 $0xFFFFEC00  }
0x68: {  	_ =	swait.ge [sflag:s12], $0x500  }
0x69: {  	[sflag:s12] =	ssyncset.done $0x0  }
0x6a: {  	s10 =	simm.s32 $0x230;
	[sflag:s12] =	ssyncadd.s32 $0xFFFFFB00  }
0x6b: {  	[tilespmem:s26], [sflag:$0x4] =	stream.indirect.gather [hbm4b:s5+s20], $0x40, s10, s20, $0xb8;
	[tilespmem:$0x16D00] =	vst v63  }
0x6c: {  	_ =	swait.ge [sflag:s28], $0x1400  }
0x6d: {  	[sflag:s28] =	ssyncset.done $0x0  }
0x6e: {  	s6 =	simm.s32 $0x2940;
	[sflag:s28] =	ssyncadd.s32 $0xFFFFEC00  }
0x6f: {  	[spmem:s2] =	stream.indirect.scatter.add.f32 [tilespmem:s21], [sflag:$0x5], $0x40, s6, s20, $0xb8;
	[tilespmem:$0x16D00] =	vst v63  }
0x70: {  	_ = 	snop  }
0x71: {  	[spmem:s3] =	stream.indirect.scatter.add.f32 [tilespmem:s19], [sflag:$0x9], $0x10, s6, s20, $0xb8;
	[tilespmem:$0x16D00] =	vst v63  }
0x72: {  	_ =	swait.ge [sflag:s29], $0x1400  }
0x73: {  	[sflag:s29] =	ssyncset.done $0x0  }
0x74: {  	[sflag:s29] =	ssyncadd.s32 $0xFFFFEC00  }
0x75: {  	_ =	swait.ge [sflag:s30], $0x500  }
0x76: {  	[sflag:s30] =	ssyncset.done $0x0  }
0x77: {  	s10 =	simm.s32 $0x280;
	[sflag:s30] =	ssyncadd.s32 $0xFFFFFB00  }
0x78: {  	[tilespmem:s21], [sflag:$0x1] =	stream.indirect.gather [hbm4b:s5+s20], $0x40, s10, s20, $0xb8;
	[tilespmem:$0x16D00] =	vst v63  }
0x79: {  	_ =	swait.ge [sflag:s1], $0x1400  }
0x7a: {  	[sflag:s1] =	ssyncset.done $0x0  }
0x7b: {  	s6 =	simm.s32 $0x2990;
	[sflag:s1] =	ssyncadd.s32 $0xFFFFEC00  }
0x7c: {  	[spmem:s2] =	stream.indirect.scatter.add.f32 [tilespmem:s22], [sflag:$0x6], $0x40, s6, s20, $0xb8;
	[tilespmem:$0x16D00] =	vst v63  }
0x7d: {  	_ = 	snop  }
0x7e: {  	[spmem:s3] =	stream.indirect.scatter.add.f32 [tilespmem:s19], [sflag:$0xA], $0x10, s6, s20, $0xb8;
	[tilespmem:$0x16D00] =	vst v63  }
0x7f: {  	_ =	swait.ge [sflag:s23], $0x1400  }
0x80: {  	[sflag:s23] =	ssyncset.done $0x0  }
0x81: {  	[sflag:s23] =	ssyncadd.s32 $0xFFFFEC00  }
0x82: {  	_ =	swait.ge [sflag:s25], $0x500  }
0x83: {  	[sflag:s25] =	ssyncset.done $0x0  }
0x84: {  	s10 =	simm.s32 $0x2D0;
	[sflag:s25] =	ssyncadd.s32 $0xFFFFFB00  }
0x85: {  	[tilespmem:s22], [sflag:$0x2] =	stream.indirect.gather [hbm4b:s5+s20], $0x40, s10, s20, $0xb8;
	[tilespmem:$0x16D00] =	vst v63  }
0x86: {  	_ =	swait.ge [sflag:s31], $0x1400  }
0x87: {  	[sflag:s31] =	ssyncset.done $0x0  }
0x88: {  	s6 =	simm.s32 $0x29E0;
	[sflag:s31] =	ssyncadd.s32 $0xFFFFEC00  }
0x89: {  	[spmem:s2] =	stream.indirect.scatter.add.f32 [tilespmem:s24], [sflag:$0x7], $0x40, s6, s20, $0xb8;
	[tilespmem:$0x16D00] =	vst v63  }
0x8a: {  	_ = 	snop  }
0x8b: {  	[spmem:s3] =	stream.indirect.scatter.add.f32 [tilespmem:s19], [sflag:$0xB], $0x10, s6, s20, $0xb8;
	[tilespmem:$0x16D00] =	vst v63  }
0x8c: {  	_ =	swait.ge [sflag:s7], $0x1400  }
0x8d: {  	[sflag:s7] =	ssyncset.done $0x0  }
0x8e: {  	[sflag:s7] =	ssyncadd.s32 $0xFFFFEC00  }
0x8f: {  	_ =	swait.ge [sflag:s8], $0x500  }
0x90: {  	[sflag:s8] =	ssyncset.done $0x0  }
0x91: {  	s10 =	simm.s32 $0x320;
	[sflag:s8] =	ssyncadd.s32 $0xFFFFFB00  }
0x92: {  	[tilespmem:s24], [sflag:$0x3] =	stream.indirect.gather [hbm4b:s5+s20], $0x40, s10, s20, $0xb8;
	[tilespmem:$0x16D00] =	vst v63  }
0x93: {  	_ =	swait.ge [sflag:s9], $0x1400  }
0x94: {  	[sflag:s9] =	ssyncset.done $0x0  }
0x95: {  	s0 =	simm.s32 $0x500;
	s6 =	simm.s32 $0x2A30;
	[sflag:s9] =	ssyncadd.s32 $0xFFFFEC00  }
0x96: {  	[spmem:s2] =	stream.indirect.scatter.add.f32 [tilespmem:s26], [sflag:$0x8], $0x40, s6, s20, $0xb8;
	[tilespmem:$0x16D00] =	vst v63  }
.LBB2_2:
0x97: {  	[spmem:s3] =	stream.indirect.scatter.add.f32 [tilespmem:s19], [sflag:$0xC], $0x10, s6, s20, $0xb8;
	[tilespmem:$0x16D00] =	vst v63  }
0x98: {  	s6 =	smov.u32 s0;
	s0 =	sadd.s32 $0x500, s0;
	_ =	swait.ge [sflag:s11], $0x1400  }
0x99: {  	p0 =	sne.s32 s0, $0x9600;
	[sflag:s11] =	ssyncset.done $0x0  }
0x9a: {  	[sflag:s11] =	ssyncadd.s32 $0xFFFFEC00  }
0x9b: {  	_ =	swait.ge [sflag:s12], $0x500  }
0x9c: {  	s6 =	sshra.s32 s6, $0x2;
	[sflag:s12] =	ssyncset.done $0x0  }
0x9d: {  	s10 =	sadd.s32 $0x230, s6;
	[sflag:s12] =	ssyncadd.s32 $0xFFFFFB00  }
0x9e: {  	[tilespmem:s26], [sflag:$0x4] =	stream.indirect.gather [hbm4b:s5+s20], $0x40, s10, s20, $0xb8;
	[tilespmem:$0x16D00] =	vst v63  }
0x9f: {  	_ =	swait.ge [sflag:s28], $0x1400  }
0xa0: {  	[sflag:s28] =	ssyncset.done $0x0  }
0xa1: {  	s10 =	sadd.s32 $0x2940, s6;
	[sflag:s28] =	ssyncadd.s32 $0xFFFFEC00  }
0xa2: {  	[spmem:s2] =	stream.indirect.scatter.add.f32 [tilespmem:s21], [sflag:$0x5], $0x40, s10, s20, $0xb8;
	[tilespmem:$0x16D00] =	vst v63  }
0xa3: {  	_ = 	snop  }
0xa4: {  	[spmem:s3] =	stream.indirect.scatter.add.f32 [tilespmem:s19], [sflag:$0x9], $0x10, s10, s20, $0xb8;
	[tilespmem:$0x16D00] =	vst v63  }
0xa5: {  	_ =	swait.ge [sflag:s29], $0x1400  }
0xa6: {  	[sflag:s29] =	ssyncset.done $0x0  }
0xa7: {  	[sflag:s29] =	ssyncadd.s32 $0xFFFFEC00  }
0xa8: {  	_ =	swait.ge [sflag:s30], $0x500  }
0xa9: {  	[sflag:s30] =	ssyncset.done $0x0  }
0xaa: {  	s10 =	sadd.s32 $0x280, s6;
	[sflag:s30] =	ssyncadd.s32 $0xFFFFFB00  }
0xab: {  	[tilespmem:s21], [sflag:$0x1] =	stream.indirect.gather [hbm4b:s5+s20], $0x40, s10, s20, $0xb8;
	[tilespmem:$0x16D00] =	vst v63  }
0xac: {  	_ =	swait.ge [sflag:s1], $0x1400  }
0xad: {  	[sflag:s1] =	ssyncset.done $0x0  }
0xae: {  	s10 =	sadd.s32 $0x2990, s6;
	[sflag:s1] =	ssyncadd.s32 $0xFFFFEC00  }
0xaf: {  	[spmem:s2] =	stream.indirect.scatter.add.f32 [tilespmem:s22], [sflag:$0x6], $0x40, s10, s20, $0xb8;
	[tilespmem:$0x16D00] =	vst v63  }
0xb0: {  	_ = 	snop  }
0xb1: {  	[spmem:s3] =	stream.indirect.scatter.add.f32 [tilespmem:s19], [sflag:$0xA], $0x10, s10, s20, $0xb8;
	[tilespmem:$0x16D00] =	vst v63  }
0xb2: {  	_ =	swait.ge [sflag:s23], $0x1400  }
0xb3: {  	[sflag:s23] =	ssyncset.done $0x0  }
0xb4: {  	[sflag:s23] =	ssyncadd.s32 $0xFFFFEC00  }
0xb5: {  	_ =	swait.ge [sflag:s25], $0x500  }
0xb6: {  	[sflag:s25] =	ssyncset.done $0x0  }
0xb7: {  	s10 =	sadd.s32 $0x2D0, s6;
	[sflag:s25] =	ssyncadd.s32 $0xFFFFFB00  }
0xb8: {  	[tilespmem:s22], [sflag:$0x2] =	stream.indirect.gather [hbm4b:s5+s20], $0x40, s10, s20, $0xb8;
	[tilespmem:$0x16D00] =	vst v63  }
0xb9: {  	_ =	swait.ge [sflag:s31], $0x1400  }
0xba: {  	[sflag:s31] =	ssyncset.done $0x0  }
0xbb: {  	s10 =	sadd.s32 $0x29E0, s6;
	[sflag:s31] =	ssyncadd.s32 $0xFFFFEC00  }
0xbc: {  	[spmem:s2] =	stream.indirect.scatter.add.f32 [tilespmem:s24], [sflag:$0x7], $0x40, s10, s20, $0xb8;
	[tilespmem:$0x16D00] =	vst v63  }
0xbd: {  	_ = 	snop  }
0xbe: {  	[spmem:s3] =	stream.indirect.scatter.add.f32 [tilespmem:s19], [sflag:$0xB], $0x10, s10, s20, $0xb8;
	[tilespmem:$0x16D00] =	vst v63  }
0xbf: {  	_ =	swait.ge [sflag:s7], $0x1400  }
0xc0: {  	[sflag:s7] =	ssyncset.done $0x0  }
0xc1: {  	[sflag:s7] =	ssyncadd.s32 $0xFFFFEC00  }
0xc2: {  	_ =	swait.ge [sflag:s8], $0x500  }
0xc3: {  	[sflag:s8] =	ssyncset.done $0x0  }
0xc4: {  	s10 =	sadd.s32 $0x320, s6;
	[sflag:s8] =	ssyncadd.s32 $0xFFFFFB00  }
0xc5: {  	[tilespmem:s24], [sflag:$0x3] =	stream.indirect.gather [hbm4b:s5+s20], $0x40, s10, s20, $0xb8;
	[tilespmem:$0x16D00] =	vst v63  }
.Ltmp0:
0xc6: {  	_ = 	snop;
	(pc) =	sbr.rel @p0 .LBB2_2-.Ltmp0, $4  }
0xc7: {  	_ =	swait.ge [sflag:s9], $0x1400  }
0xc8: {  	[sflag:s9] =	ssyncset.done $0x0  }
0xc9: {  	s6 =	sadd.s32 $0x2A30, s6;
	[sflag:s9] =	ssyncadd.s32 $0xFFFFEC00  }
0xca: {  	[spmem:s2] =	stream.indirect.scatter.add.f32 [tilespmem:s26], [sflag:$0x8], $0x40, s6, s20, $0xb8;
	[tilespmem:$0x16D00] =	vst v63  }
0xcb: {  	[spmem:s3] =	stream.indirect.scatter.add.f32 [tilespmem:s19], [sflag:$0xC], $0x10, s6, s20, $0xb8;
	[tilespmem:$0x16D00] =	vst v63  }
0xcc: {  	_ =	swait.ge [sflag:s11], $0x1400  }
0xcd: {  	[sflag:s11] =	ssyncset.done $0x0  }
0xce: {  	[sflag:s11] =	ssyncadd.s32 $0xFFFFEC00  }
0xcf: {  	_ =	swait.ge [sflag:s12], $0x500  }
0xd0: {  	s0 =	sshra.s32 s0, $0x2;
	[sflag:s12] =	ssyncset.done $0x0  }
0xd1: {  	s10 =	sadd.s32 $0x230, s0;
	[sflag:s12] =	ssyncadd.s32 $0xFFFFFB00  }
0xd2: {  	[tilespmem:s26], [sflag:$0x4] =	stream.indirect.gather [hbm4b:s5+s20], $0x40, s10, s20, $0xb8;
	[tilespmem:$0x16D00] =	vst v63  }
0xd3: {  	_ =	swait.ge [sflag:s28], $0x1400  }
0xd4: {  	[sflag:s28] =	ssyncset.done $0x0  }
0xd5: {  	s10 =	sadd.s32 $0x2940, s0;
	[sflag:s28] =	ssyncadd.s32 $0xFFFFEC00  }
0xd6: {  	[spmem:s2] =	stream.indirect.scatter.add.f32 [tilespmem:s21], [sflag:$0x5], $0x40, s10, s20, $0xb8;
	[tilespmem:$0x16D00] =	vst v63  }
0xd7: {  	_ = 	snop  }
0xd8: {  	[spmem:s3] =	stream.indirect.scatter.add.f32 [tilespmem:s19], [sflag:$0x9], $0x10, s10, s20, $0xb8;
	[tilespmem:$0x16D00] =	vst v63  }
0xd9: {  	_ =	swait.ge [sflag:s1], $0x1400  }
0xda: {  	[sflag:s1] =	ssyncset.done $0x0  }
0xdb: {  	s10 =	sadd.s32 $0x2990, s0;
	[sflag:s1] =	ssyncadd.s32 $0xFFFFEC00  }
0xdc: {  	[spmem:s2] =	stream.indirect.scatter.add.f32 [tilespmem:s22], [sflag:$0x6], $0x40, s10, s20, $0xb8;
	[tilespmem:$0x16D00] =	vst v63  }
0xdd: {  	_ = 	snop  }
0xde: {  	[spmem:s3] =	stream.indirect.scatter.add.f32 [tilespmem:s19], [sflag:$0xA], $0x10, s10, s20, $0xb8;
	[tilespmem:$0x16D00] =	vst v63  }
0xdf: {  	_ =	swait.ge [sflag:s31], $0x1400  }
0xe0: {  	[sflag:s31] =	ssyncset.done $0x0  }
0xe1: {  	s10 =	sadd.s32 $0x29E0, s0;
	[sflag:s31] =	ssyncadd.s32 $0xFFFFEC00  }
0xe2: {  	[spmem:s2] =	stream.indirect.scatter.add.f32 [tilespmem:s24], [sflag:$0x7], $0x40, s10, s20, $0xb8;
	[tilespmem:$0x16D00] =	vst v63  }
0xe3: {  	_ = 	snop  }
0xe4: {  	[spmem:s3] =	stream.indirect.scatter.add.f32 [tilespmem:s19], [sflag:$0xB], $0x10, s10, s20, $0xb8;
	[tilespmem:$0x16D00] =	vst v63  }
0xe5: {  	_ =	swait.ge [sflag:s9], $0x1400  }
0xe6: {  	[sflag:s9] =	ssyncset.done $0x0  }
0xe7: {  	s0 =	sadd.s32 $0x2A30, s0;
	[sflag:s9] =	ssyncadd.s32 $0xFFFFEC00  }
0xe8: {  	[spmem:s2] =	stream.indirect.scatter.add.f32 [tilespmem:s26], [sflag:$0x8], $0x40, s0, s20, $0xb8;
	[tilespmem:$0x16D00] =	vst v63  }
0xe9: {  	_ = 	snop  }
0xea: {  	[spmem:s3] =	stream.indirect.scatter.add.f32 [tilespmem:s19], [sflag:$0xC], $0x10, s0, s20, $0xb8;
	[tilespmem:$0x16D00] =	vst v63  }
0xeb: {  	_ =	swait.ge [sflag:s29], $0x1400  }
0xec: {  	[sflag:s29] =	ssyncset.done $0x0  }
0xed: {  	[sflag:s29] =	ssyncadd.s32 $0xFFFFEC00  }
0xee: {  	_ =	swait.ge [sflag:s30], $0x500  }
0xef: {  	[sflag:s30] =	ssyncset.done $0x0  }
0xf0: {  	[sflag:s30] =	ssyncadd.s32 $0xFFFFFB00  }
0xf1: {  	_ =	swait.ge [sflag:s23], $0x1400  }
0xf2: {  	[sflag:s23] =	ssyncset.done $0x0  }
0xf3: {  	[sflag:s23] =	ssyncadd.s32 $0xFFFFEC00  }
0xf4: {  	_ =	swait.ge [sflag:s25], $0x500  }
0xf5: {  	[sflag:s25] =	ssyncset.done $0x0  }
0xf6: {  	[sflag:s25] =	ssyncadd.s32 $0xFFFFFB00  }
0xf7: {  	_ =	swait.ge [sflag:s7], $0x1400  }
0xf8: {  	[sflag:s7] =	ssyncset.done $0x0  }
0xf9: {  	[sflag:s7] =	ssyncadd.s32 $0xFFFFEC00  }
0xfa: {  	_ =	swait.ge [sflag:s8], $0x500  }
0xfb: {  	[sflag:s8] =	ssyncset.done $0x0  }
0xfc: {  	[sflag:s8] =	ssyncadd.s32 $0xFFFFFB00  }
0xfd: {  	_ =	swait.ge [sflag:s11], $0x1400  }
0xfe: {  	[sflag:s11] =	ssyncset.done $0x0  }
0xff: {  	[sflag:s11] =	ssyncadd.s32 $0xFFFFEC00  }
0x100: {  	_ =	swait.ge [sflag:s12], $0x500  }
0x101: {  	[sflag:s12] =	ssyncset.done $0x0  }
0x102: {  	[sflag:s12] =	ssyncadd.s32 $0xFFFFFB00  }
0x103: {  	[bflag:$0x0] =	sbarrier.arrive $0xFFFF  }
0x104: {  	s10 =	rddreg [dreg:$0x9]  }
0x105: {  	[hbm:s10], [sflag:s16] =	dma.local [spmem:s17], $0x1400  }
0x106: {  	_ =	swait.ge [sflag:s14], $0x1400  }
0x107: {  	[sflag:s14] =	ssyncset.done $0x0  }
0x108: {  	s6 =	rddreg [dreg:$0xa];
	[sflag:s14] =	ssyncadd.s32 $0xFFFFEC00  }
0x109: {  	[hbm:s6], [sflag:s16] =	dma.local [spmem:s18], $0x500  }
0x10a: {  	_ =	swait.ge [sflag:s14], $0x500  }
0x10b: {  	s13 =	sadd.s32 $0x1, s13;
	s10 =	rddreg [dreg:$0xb]  }
0x10c: {  	p0 =	sne.s32 s13, s10  }
.Ltmp1:
0x10d: {  	_ = 	snop;
	(pc) =	sbr.rel @p0 .LBB2_1-.Ltmp1, $3  }
0x10e: {  	_ =	sdelay $0x1  }
0x10f: {  	[sflag:s14] =	ssyncset.done $0x0  }
0x110: {  	[sflag:s14] =	ssyncadd.s32 $0xFFFFFB00  }
0x111: {  	_ =	sfence.sel $0x180000  }
0x112: {  	[bflag:$0x0] =	sbarrier.arrive $0xFFFF  }
0x113: {  	_ =	strace $0x90000047  }
0x114: {  	s0 =	stileid.u32;
	[bflag:$0x2] =	sbarrier.arrive $0xFFFF  }
0x115: {  	p0 =	sne.s32 s0, $0x0;
	s0 =	rddreg [dreg:$0x3]  }
0x116: {  	s0 =	sadd.s32 @!p0 $0x100000, s0  }
0x117: {  	[sflag:s0] =	ssyncadd.tile.s32 @!p0 $0x1;
	_ =	shalt  }
.Lfunc_end2:
_tile_overlayer_lowered:
.L_overlay_start_2:
0x118: {  	(tag) =	ssettag $0x2  }
0x119: {  	s0 =	rddreg [dreg:$0x0];
	s2 =	stileid.u32  }
0x11a: {  	s1 =	rddreg [dreg:$0x1];
	p0 =	sne.s32 s2, $0x0  }
0x11b: {  	s3 =	rddreg [dreg:$0x2];
	[bflag:$0x3] =	sbarrier.arrive $0xFFFF;
	s2 =	simm.s32 @!p0 $0x1C0D  }
0x11c: {  	[timem:s3], [sflag:s2] =	dma.local @!p0 [hbm:s0], s1  }
0x11d: {  	s0 =	simm.s32 @!p0 $0xD  }
0x11e: {  	_ =	swait.ge @!p0 [sflag:s0], s1  }
0x11f: {  	s1 =	ssub.s32 @!p0 $0x0, s1;
	[sflag:s0] =	ssyncset.done @!p0 $0x0  }
0x120: {  	[sflag:s0] =	ssyncadd.s32 @!p0 s1  }
0x121: {  	[bflag:$0x3] =	sbarrier.arrive $0xFFFF  }
0x122: {  	_ =	shalt  }

</sc_bundles>
